<compile_context>
chip_gen: v7x
topology: tpu7x:2x2x1
jax: 0.10.2.dev20260603
libtpu: 0.0.44.dev20260713+nightly
codegen_flags: <defaults>
</compile_context>

<pallas_src>
import functools

import jax
import jax.numpy as jnp
from jax import lax
from jax.experimental import pallas as pl
from jax.experimental.pallas import tpu as pltpu
from jax.experimental.pallas import tpu_sc as plsc

V = 10000
R = 237
D = 200
E = 160000

NC = 2
NS = 16
NW = NC * NS

CHUNK = 200
CA, CB = 104, 96
NCHUNK = E // CHUNK
CPW = NCHUNK // NW
EPW = E // NW
VSTEPS = EPW // 16

ZROWS = 640
BN = 1000
H = D // 2
HP = 128

_mesh = plsc.VectorSubcoreMesh(core_axis_name="c", subcore_axis_name="s")
_sc_params = pltpu.CompilerParams(needs_layout_passes=False,
                                  use_tc_tiling_on_sc=False)


@functools.partial(
    pl.kernel,
    mesh=_mesh,
    out_type=(
        jax.ShapeDtypeStruct((V // BN, NW, BN), jnp.int32),
        jax.ShapeDtypeStruct((V // BN, NW, BN), jnp.int32),
        jax.ShapeDtypeStruct((E, D), jnp.float32),
    ),
    scratch_types=[
        pltpu.VMEM((EPW + 16,), jnp.int32),
        pltpu.VMEM((EPW + 16,), jnp.int32),
        pltpu.VMEM((V,), jnp.int32),
        pltpu.VMEM((V,), jnp.int32),
        pltpu.VMEM((CA,), jnp.int32),
        pltpu.VMEM((CB,), jnp.int32),
        pltpu.VMEM((CHUNK, D), jnp.float32),
        pltpu.SemaphoreType.DMA,
    ],
    compiler_params=_sc_params,
)
def _sc_deg_rel(src_hbm, dst_hbm, rel_hbm, rtab_hbm,
                degs_out, degd_out, rel_out,
                sidx, didx, hs, hd, ridx_a, ridx_b, rrows, sem):
    cid = lax.axis_index("c")
    sid = lax.axis_index("s")
    wid = sid * NC + cid

    zi = jnp.zeros((16,), jnp.int32)
    ones = jnp.ones((16,), jnp.int32)

    def _zb(i, carry):
        hs[pl.ds(i * 16, 16)] = zi
        hd[pl.ds(i * 16, 16)] = zi
        return carry
    lax.fori_loop(0, V // 16, _zb, 0)

    sidx[pl.ds(EPW - 8, 16)] = zi
    didx[pl.ds(EPW - 8, 16)] = zi

    def _ld(j, carry):
        base = (wid + j * NW) * CHUNK
        pltpu.sync_copy(src_hbm.at[pl.ds(base, CHUNK)], sidx.at[pl.ds(j * CHUNK, CHUNK)])
        pltpu.sync_copy(dst_hbm.at[pl.ds(base, CHUNK)], didx.at[pl.ds(j * CHUNK, CHUNK)])
        return carry
    lax.fori_loop(0, CPW, _ld, 0)

    def _hadd(hist, ids, elig):
        cnt, last = plsc.scan_count(ids, elig)
        plsc.addupdate_scatter(hist, [ids], cnt, mask=last)

    def _hb(i, carry):
        _hadd(hs, sidx[pl.ds(i * 16, 16)], None)
        _hadd(hd, didx[pl.ds(i * 16, 16)], None)
        return carry
    lax.fori_loop(0, VSTEPS, _hb, 0)
    tail = lax.iota(jnp.int32, 16) < 8
    _hadd(hs, sidx[pl.ds(VSTEPS * 16, 16)], tail)
    _hadd(hd, didx[pl.ds(VSTEPS * 16, 16)], tail)

    def _hw(k, carry):
        pltpu.sync_copy(hs.at[pl.ds(k * BN, BN)], degs_out.at[k, wid])
        pltpu.sync_copy(hd.at[pl.ds(k * BN, BN)], degd_out.at[k, wid])
        return carry
    lax.fori_loop(0, V // BN, _hw, 0)

    def _rg(j, carry):
        base = (wid + j * NW) * CHUNK
        pltpu.sync_copy(rel_hbm.at[pl.ds(base, CA)], ridx_a)
        pltpu.sync_copy(rel_hbm.at[pl.ds(base + CA, CB)], ridx_b)
        pltpu.async_copy(rtab_hbm.at[ridx_a], rrows.at[pl.ds(0, CA)], sem).wait()
        pltpu.async_copy(rtab_hbm.at[ridx_b], rrows.at[pl.ds(CA, CB)], sem).wait()
        pltpu.sync_copy(rrows, rel_out.at[pl.ds(base, CHUNK)])
        return carry
    lax.fori_loop(0, CPW, _rg, 0)


CPS = NCHUNK // NS


@functools.partial(
    pl.kernel,
    mesh=_mesh,
    out_type=jax.ShapeDtypeStruct((NC, V, HP), jnp.float32),
    scratch_types=[
        pltpu.VMEM_SHARED((V, HP), jnp.float32),
        pltpu.VMEM((CA,), jnp.int32),
        pltpu.VMEM((CB,), jnp.int32),
        pltpu.VMEM((CA,), jnp.int32),
        pltpu.VMEM((CB,), jnp.int32),
        pltpu.VMEM((CHUNK, HP), jnp.float32),
        pltpu.SemaphoreType.DMA,
    ],
    compiler_params=_sc_params,
)
def _sc_agg(srcb_hbm, dst_hbm, h_hbm, zeros_hbm,
            part_out,
            agg, sidx_a, sidx_b, didx_a, didx_b, rows, sem):
    cid = lax.axis_index("c")
    sid = lax.axis_index("s")

    @pl.when(sid < NS - 1)
    def _():
        pltpu.sync_copy(zeros_hbm, agg.at[pl.ds(sid * ZROWS, ZROWS)])

    @pl.when(sid == NS - 1)
    def _():
        pltpu.sync_copy(zeros_hbm.at[pl.ds(0, V - (NS - 1) * ZROWS)],
                        agg.at[pl.ds((NS - 1) * ZROWS, V - (NS - 1) * ZROWS)])

    plsc.subcore_barrier()

    def _body(j, carry):
        base = (sid + j * NS) * CHUNK
        sbase = cid * E + base
        pltpu.sync_copy(srcb_hbm.at[pl.ds(sbase, CA)], sidx_a)
        pltpu.sync_copy(srcb_hbm.at[pl.ds(sbase + CA, CB)], sidx_b)
        pltpu.sync_copy(dst_hbm.at[pl.ds(base, CA)], didx_a)
        pltpu.sync_copy(dst_hbm.at[pl.ds(base + CA, CB)], didx_b)
        pltpu.async_copy(h_hbm.at[sidx_a], rows.at[pl.ds(0, CA)], sem).wait()
        pltpu.async_copy(h_hbm.at[sidx_b], rows.at[pl.ds(CA, CB)], sem).wait()
        pltpu.sync_copy(rows.at[pl.ds(0, CA)], agg.at[didx_a], add=True)
        pltpu.sync_copy(rows.at[pl.ds(CA, CB)], agg.at[didx_b], add=True)
        return carry
    lax.fori_loop(0, CPS, _body, 0)

    plsc.subcore_barrier()

    @pl.when(sid < NS - 1)
    def _():
        pltpu.sync_copy(agg.at[pl.ds(sid * ZROWS, ZROWS)],
                        part_out.at[cid, pl.ds(sid * ZROWS, ZROWS)])

    @pl.when(sid == NS - 1)
    def _():
        pltpu.sync_copy(agg.at[pl.ds((NS - 1) * ZROWS, V - (NS - 1) * ZROWS)],
                        part_out.at[cid, pl.ds((NS - 1) * ZROWS, V - (NS - 1) * ZROWS)])


def _tc_h_body(pd_ref, e_ref, h_ref):
    deg = jnp.sum(pd_ref[0], axis=0).astype(jnp.float32)
    norm = lax.rsqrt(jnp.maximum(deg, 1.0))
    h_ref[...] = e_ref[...] * norm[:, None]


def _tc_out_body(p_ref, pd_ref, w_ref, b_ref, o_ref):
    deg = jnp.sum(pd_ref[0], axis=0).astype(jnp.float32)
    norm = lax.rsqrt(jnp.maximum(deg, 1.0))[:, None]
    o_ref[...] = (
        jnp.dot(p_ref[0] * norm, w_ref[0], preferred_element_type=jnp.float32)
        + jnp.dot(p_ref[1] * norm, w_ref[1], preferred_element_type=jnp.float32)
        + b_ref[...]
    )


def kernel(edge_index, rel_ids, e_table, r_table, W, b):
    src = edge_index[0]
    dst = edge_index[1]
    src_both = jnp.concatenate([src, src + V])
    e_cat = jnp.pad(
        e_table.reshape(V, NC, H).transpose(1, 0, 2), ((0, 0), (0, 0), (0, HP - H))
    ).reshape(NC * V, HP)
    w_pad = jnp.pad(W.reshape(NC, H, D), ((0, 0), (0, HP - H), (0, 0)))
    zeros_blk = jnp.zeros((ZROWS, HP), jnp.float32)

    degs, degd, rel_out = _sc_deg_rel(src, dst, rel_ids, r_table)

    h_cat = pl.pallas_call(
        _tc_h_body,
        grid=(NC * V // BN,),
        in_specs=[
            pl.BlockSpec((1, NW, BN), lambda i: (i % (V // BN), 0, 0)),
            pl.BlockSpec((BN, HP), lambda i: (i, 0)),
        ],
        out_specs=pl.BlockSpec((BN, HP), lambda i: (i, 0)),
        out_shape=jax.ShapeDtypeStruct((NC * V, HP), jnp.float32),
    )(degs, e_cat)

    part = _sc_agg(src_both, dst, h_cat, zeros_blk)

    node_out = pl.pallas_call(
        _tc_out_body,
        grid=(V // BN,),
        in_specs=[
            pl.BlockSpec((NC, BN, HP), lambda i: (0, i, 0)),
            pl.BlockSpec((1, NW, BN), lambda i: (i, 0, 0)),
            pl.BlockSpec((NC, HP, D), lambda i: (0, 0, 0)),
            pl.BlockSpec((1, D), lambda i: (0, 0)),
        ],
        out_specs=pl.BlockSpec((BN, D), lambda i: (i, 0)),
        out_shape=jax.ShapeDtypeStruct((V, D), jnp.float32),
    )(part, degd, w_pad, b.reshape(1, D))

    return node_out, rel_out

# --- scband reference (transcript-rebuilt; emitter-appended) ---
"""Pipeline reference for scband-test-model-64321430225191 (READ-ONLY COPY).

The authoritative reference and input builder live on the scoring server;
editing this copy changes nothing except your own understanding.
"""

import jax, jax.numpy as jnp
import numpy as np

NUM_NODES = 10000
NUM_RELS = 237
EMB = 200
GC = 200
N_EDGES = 160000


def setup_inputs(seed: int = 0) -> dict:
    key = jax.random.key(seed)
    k1, k2, k3, k4, k5 = jax.random.split(key, 5)
    edge_index = jax.random.randint(k1, (2, N_EDGES), 0, NUM_NODES)
    rel_ids = jax.random.randint(k2, (N_EDGES,), 0, NUM_RELS)
    e_table = jax.random.normal(k3, (NUM_NODES, EMB), dtype=jnp.float32)
    r_table = jax.random.normal(k4, (NUM_RELS, EMB), dtype=jnp.float32)
    W = jax.random.normal(k5, (EMB, GC), dtype=jnp.float32) * 0.05
    b = jnp.zeros((GC,), dtype=jnp.float32)
    return {"edge_index": edge_index, "rel_ids": rel_ids, "e_table": e_table, "r_table": r_table, "W": W, "b": b}


def reference(edge_index, rel_ids, e_table, r_table, W, b):
    # Faithful DGL GraphConv(norm='both', weight=True, bias=True) applied to the
    # full entity embedding table (nn.Embedding lookup of all node ids), plus a
    # relation embedding gather per edge (r_emb lookup).
    src = edge_index[0]
    dst = edge_index[1]
    # out-degree normalization of source features (clamp(min=1) as in DGL)
    deg_out = jnp.bincount(src, length=NUM_NODES).astype(jnp.float32)
    norm_src = jnp.power(jnp.clip(deg_out, 1.0, None), -0.5)
    h = e_table * norm_src[:, None]
    # message = gather source features per edge
    msg = jnp.take(h, src, axis=0)
    # aggregate = scatter-add into destination nodes
    agg = jax.ops.segment_sum(msg, dst, num_segments=NUM_NODES)
    # in-degree normalization of aggregated features
    deg_in = jnp.bincount(dst, length=NUM_NODES).astype(jnp.float32)
    norm_dst = jnp.power(jnp.clip(deg_in, 1.0, None), -0.5)
    agg = agg * norm_dst[:, None]
    # in_feats == out_feats (200 == 200) -> DGL applies weight after aggregation
    node_out = agg @ W + b
    # relation embedding lookup per edge
    rel_out = jnp.take(r_table, rel_ids, axis=0)
    return node_out, rel_out

if __name__ == "__main__":
    import jax
    _d = setup_inputs()
    print(jax.jit(kernel)(*tuple(_d.values())))

</pallas_src>

<mosaic_0001>
#map = affine_map<(d0, d1) -> (0)>
#map1 = affine_map<(d0, d1) -> (0, 0)>
#map2 = affine_map<(d0, d1) -> (0, 0, 0)>
module attributes {stable_mosaic.version = 14 : i64} {
  func.func @_sc_agg(%arg0: i32, %arg1: i32, %arg2: memref<320000xi32, #tpu.memory_space<hbm>>, %arg3: memref<160000xi32, #tpu.memory_space<hbm>>, %arg4: memref<20000x128xf32, #tpu.memory_space<hbm>>, %arg5: memref<640x128xf32, #tpu.memory_space<hbm>>, %arg6: memref<2x10000x128xf32, #tpu.memory_space<hbm>>, %arg7: memref<10000x128xf32, #tpu.memory_space<vmem_shared>>, %arg8: memref<104xi32, #tpu.memory_space<vmem>>, %arg9: memref<96xi32, #tpu.memory_space<vmem>>, %arg10: memref<104xi32, #tpu.memory_space<vmem>>, %arg11: memref<96xi32, #tpu.memory_space<vmem>>, %arg12: memref<200x128xf32, #tpu.memory_space<vmem>>, %arg13: memref<!tpu.dma_semaphore, #tpu.memory_space<semaphore_mem>>) attributes {dimension_semantics = [#tpu.dimension_semantics<core_parallel>, #tpu.dimension_semantics<subcore_parallel>], iteration_bounds = array<i64: 2, 16>, scalar_prefetch = 0 : i64, scratch_operands = 7 : i64, tpu.core_type = #tpu.core_type<sc_vector_subcore>, window_params = [{transform_indices = #map}, {transform_indices = #map}, {transform_indices = #map1}, {transform_indices = #map1}, {transform_indices = #map2}]} {
    %lt3A = arith.constant 15 : i32
    %lt3A_0 = arith.cmpi slt, %arg1, %lt3A : i32
    %convert_element_type3A = arith.extui %lt3A_0 : i1 to i32
    %cond3A = arith.constant 0 : i32
    %cond3A_1 = arith.cmpi ne, %convert_element_type3A, %cond3A : i32
    scf.if %cond3A_1 {
      %mul3A = arith.constant 640 : i32
      %mul3A_22 = arith.muli %arg1, %mul3A : i32
      "tpu.region"() ({
        %run_scoped3A = tpu.sem_alloc : memref<!tpu.dma_semaphore, #tpu.memory_space<semaphore_mem>>
        %dma_start3A = arith.constant 0 : i32
        %dma_start3A_23 = tpu.memref_slice %arg7[%mul3A_22, %dma_start3A] : memref<10000x128xf32, #tpu.memory_space<vmem_shared>> -> memref<640x128xf32, #tpu.memory_space<vmem_shared>>
        tpu.enqueue_dma source(%arg5 : memref<640x128xf32, #tpu.memory_space<hbm>>) target(%dma_start3A_23 : memref<640x128xf32, #tpu.memory_space<vmem_shared>>) target_semaphore(%run_scoped3A : memref<!tpu.dma_semaphore, #tpu.memory_space<semaphore_mem>>)
        %dma_wait3A = arith.constant 0 : i32
        %dma_wait3A_24 = tpu.memref_slice %arg7[%mul3A_22, %dma_wait3A] : memref<10000x128xf32, #tpu.memory_space<vmem_shared>> -> memref<640x128xf32, #tpu.memory_space<vmem_shared>>
        tpu.wait_dma2 semaphore(%run_scoped3A : memref<!tpu.dma_semaphore, #tpu.memory_space<semaphore_mem>>) src(%arg5 : memref<640x128xf32, #tpu.memory_space<hbm>>) dst(%dma_wait3A_24 : memref<640x128xf32, #tpu.memory_space<vmem_shared>>)
        tpu.yield
      }) : () -> ()
    } else {
    }
    %eq3A = arith.constant 15 : i32
    %eq3A_2 = arith.cmpi eq, %arg1, %eq3A : i32
    %convert_element_type3A_3 = arith.extui %eq3A_2 : i1 to i32
    %cond3A_4 = arith.constant 0 : i32
    %cond3A_5 = arith.cmpi ne, %convert_element_type3A_3, %cond3A_4 : i32
    scf.if %cond3A_5 {
      "tpu.region"() ({
        %run_scoped3A = tpu.sem_alloc : memref<!tpu.dma_semaphore, #tpu.memory_space<semaphore_mem>>
        %dma_start3A = arith.constant 9600 : i32
        %dma_start3A_22 = arith.constant 0 : i32
        %dma_start3A_23 = tpu.memref_slice %arg7[%dma_start3A, %dma_start3A_22] : memref<10000x128xf32, #tpu.memory_space<vmem_shared>> -> memref<400x128xf32, #tpu.memory_space<vmem_shared>>
        %dma_start3A_24 = arith.constant 0 : i32
        %dma_start3A_25 = arith.constant 0 : i32
        %dma_start3A_26 = tpu.memref_slice %arg5[%dma_start3A_24, %dma_start3A_25] : memref<640x128xf32, #tpu.memory_space<hbm>> -> memref<400x128xf32, #tpu.memory_space<hbm>>
        tpu.enqueue_dma source(%dma_start3A_26 : memref<400x128xf32, #tpu.memory_space<hbm>>) target(%dma_start3A_23 : memref<400x128xf32, #tpu.memory_space<vmem_shared>>) target_semaphore(%run_scoped3A : memref<!tpu.dma_semaphore, #tpu.memory_space<semaphore_mem>>)
        %dma_wait3A = arith.constant 9600 : i32
        %dma_wait3A_27 = arith.constant 0 : i32
        %dma_wait3A_28 = tpu.memref_slice %arg7[%dma_wait3A, %dma_wait3A_27] : memref<10000x128xf32, #tpu.memory_space<vmem_shared>> -> memref<400x128xf32, #tpu.memory_space<vmem_shared>>
        %dma_wait3A_29 = arith.constant 0 : i32
        %dma_wait3A_30 = arith.constant 0 : i32
        %dma_wait3A_31 = tpu.memref_slice %arg5[%dma_wait3A_29, %dma_wait3A_30] : memref<640x128xf32, #tpu.memory_space<hbm>> -> memref<400x128xf32, #tpu.memory_space<hbm>>
        tpu.wait_dma2 semaphore(%run_scoped3A : memref<!tpu.dma_semaphore, #tpu.memory_space<semaphore_mem>>) src(%dma_wait3A_31 : memref<400x128xf32, #tpu.memory_space<hbm>>) dst(%dma_wait3A_28 : memref<400x128xf32, #tpu.memory_space<vmem_shared>>)
        tpu.yield
      }) : () -> ()
    } else {
    }
    %barrier3A = arith.constant 0 : index
    tpu.barrier barrier_id(%barrier3A)
    %scan3A = arith.constant 0 : i32
    %scan3A_6 = arith.constant 0 : i32
    %scan3A_7 = arith.constant 50 : i32
    %scan3A_8 = arith.addi %scan3A_6, %scan3A_7 : i32
    %scan3A_9 = arith.constant 1 : i32
    scf.for %scan3A_22 = %scan3A_6 to %scan3A_8 step %scan3A_9  : i32 {
      %mul3A = arith.constant 16 : i32
      %mul3A_23 = arith.muli %scan3A_22, %mul3A : i32
      %add3A = arith.addi %arg1, %mul3A_23 : i32
      %mul3A_24 = arith.constant 200 : i32
      %mul3A_25 = arith.muli %add3A, %mul3A_24 : i32
      %mul3A_26 = arith.constant 160000 : i32
      %mul3A_27 = arith.muli %arg0, %mul3A_26 : i32
      %add3A_28 = arith.addi %mul3A_27, %mul3A_25 : i32
      "tpu.region"() ({
        %run_scoped3A = tpu.sem_alloc : memref<!tpu.dma_semaphore, #tpu.memory_space<semaphore_mem>>
        %dma_start3A_55 = tpu.memref_slice %arg2[%add3A_28] : memref<320000xi32, #tpu.memory_space<hbm>> -> memref<104xi32, #tpu.memory_space<hbm>>
        %dma_start3A_56 = tpu.memref_slice %arg2[%add3A_28] : memref<320000xi32, #tpu.memory_space<hbm>> -> memref<104xi32, #tpu.memory_space<hbm>>
        tpu.enqueue_dma source(%dma_start3A_56 : memref<104xi32, #tpu.memory_space<hbm>>) target(%arg8 : memref<104xi32, #tpu.memory_space<vmem>>) target_semaphore(%run_scoped3A : memref<!tpu.dma_semaphore, #tpu.memory_space<semaphore_mem>>)
        %dma_wait3A_57 = tpu.memref_slice %arg2[%add3A_28] : memref<320000xi32, #tpu.memory_space<hbm>> -> memref<104xi32, #tpu.memory_space<hbm>>
        %dma_wait3A_58 = tpu.memref_slice %arg2[%add3A_28] : memref<320000xi32, #tpu.memory_space<hbm>> -> memref<104xi32, #tpu.memory_space<hbm>>
        tpu.wait_dma2 semaphore(%run_scoped3A : memref<!tpu.dma_semaphore, #tpu.memory_space<semaphore_mem>>) src(%dma_wait3A_58 : memref<104xi32, #tpu.memory_space<hbm>>) dst(%arg8 : memref<104xi32, #tpu.memory_space<vmem>>)
        tpu.yield
      }) : () -> ()
      %add3A_29 = arith.constant 104 : i32
      %add3A_30 = arith.addi %add3A_28, %add3A_29 : i32
      "tpu.region"() ({
        %run_scoped3A = tpu.sem_alloc : memref<!tpu.dma_semaphore, #tpu.memory_space<semaphore_mem>>
        %dma_start3A_55 = tpu.memref_slice %arg2[%add3A_30] : memref<320000xi32, #tpu.memory_space<hbm>> -> memref<96xi32, #tpu.memory_space<hbm>>
        %dma_start3A_56 = tpu.memref_slice %arg2[%add3A_30] : memref<320000xi32, #tpu.memory_space<hbm>> -> memref<96xi32, #tpu.memory_space<hbm>>
        tpu.enqueue_dma source(%dma_start3A_56 : memref<96xi32, #tpu.memory_space<hbm>>) target(%arg9 : memref<96xi32, #tpu.memory_space<vmem>>) target_semaphore(%run_scoped3A : memref<!tpu.dma_semaphore, #tpu.memory_space<semaphore_mem>>)
        %dma_wait3A_57 = tpu.memref_slice %arg2[%add3A_30] : memref<320000xi32, #tpu.memory_space<hbm>> -> memref<96xi32, #tpu.memory_space<hbm>>
        %dma_wait3A_58 = tpu.memref_slice %arg2[%add3A_30] : memref<320000xi32, #tpu.memory_space<hbm>> -> memref<96xi32, #tpu.memory_space<hbm>>
        tpu.wait_dma2 semaphore(%run_scoped3A : memref<!tpu.dma_semaphore, #tpu.memory_space<semaphore_mem>>) src(%dma_wait3A_58 : memref<96xi32, #tpu.memory_space<hbm>>) dst(%arg9 : memref<96xi32, #tpu.memory_space<vmem>>)
        tpu.yield
      }) : () -> ()
      "tpu.region"() ({
        %run_scoped3A = tpu.sem_alloc : memref<!tpu.dma_semaphore, #tpu.memory_space<semaphore_mem>>
        %dma_start3A_55 = tpu.memref_slice %arg3[%mul3A_25] : memref<160000xi32, #tpu.memory_space<hbm>> -> memref<104xi32, #tpu.memory_space<hbm>>
        %dma_start3A_56 = tpu.memref_slice %arg3[%mul3A_25] : memref<160000xi32, #tpu.memory_space<hbm>> -> memref<104xi32, #tpu.memory_space<hbm>>
        tpu.enqueue_dma source(%dma_start3A_56 : memref<104xi32, #tpu.memory_space<hbm>>) target(%arg10 : memref<104xi32, #tpu.memory_space<vmem>>) target_semaphore(%run_scoped3A : memref<!tpu.dma_semaphore, #tpu.memory_space<semaphore_mem>>)
        %dma_wait3A_57 = tpu.memref_slice %arg3[%mul3A_25] : memref<160000xi32, #tpu.memory_space<hbm>> -> memref<104xi32, #tpu.memory_space<hbm>>
        %dma_wait3A_58 = tpu.memref_slice %arg3[%mul3A_25] : memref<160000xi32, #tpu.memory_space<hbm>> -> memref<104xi32, #tpu.memory_space<hbm>>
        tpu.wait_dma2 semaphore(%run_scoped3A : memref<!tpu.dma_semaphore, #tpu.memory_space<semaphore_mem>>) src(%dma_wait3A_58 : memref<104xi32, #tpu.memory_space<hbm>>) dst(%arg10 : memref<104xi32, #tpu.memory_space<vmem>>)
        tpu.yield
      }) : () -> ()
      %add3A_31 = arith.constant 104 : i32
      %add3A_32 = arith.addi %mul3A_25, %add3A_31 : i32
      "tpu.region"() ({
        %run_scoped3A = tpu.sem_alloc : memref<!tpu.dma_semaphore, #tpu.memory_space<semaphore_mem>>
        %dma_start3A_55 = tpu.memref_slice %arg3[%add3A_32] : memref<160000xi32, #tpu.memory_space<hbm>> -> memref<96xi32, #tpu.memory_space<hbm>>
        %dma_start3A_56 = tpu.memref_slice %arg3[%add3A_32] : memref<160000xi32, #tpu.memory_space<hbm>> -> memref<96xi32, #tpu.memory_space<hbm>>
        tpu.enqueue_dma source(%dma_start3A_56 : memref<96xi32, #tpu.memory_space<hbm>>) target(%arg11 : memref<96xi32, #tpu.memory_space<vmem>>) target_semaphore(%run_scoped3A : memref<!tpu.dma_semaphore, #tpu.memory_space<semaphore_mem>>)
        %dma_wait3A_57 = tpu.memref_slice %arg3[%add3A_32] : memref<160000xi32, #tpu.memory_space<hbm>> -> memref<96xi32, #tpu.memory_space<hbm>>
        %dma_wait3A_58 = tpu.memref_slice %arg3[%add3A_32] : memref<160000xi32, #tpu.memory_space<hbm>> -> memref<96xi32, #tpu.memory_space<hbm>>
        tpu.wait_dma2 semaphore(%run_scoped3A : memref<!tpu.dma_semaphore, #tpu.memory_space<semaphore_mem>>) src(%dma_wait3A_58 : memref<96xi32, #tpu.memory_space<hbm>>) dst(%arg11 : memref<96xi32, #tpu.memory_space<vmem>>)
        tpu.yield
      }) : () -> ()
      %dma_start3A = arith.constant 0 : i32
      %dma_start3A_33 = arith.constant 0 : i32
      %dma_start3A_34 = tpu.memref_slice %arg12[%dma_start3A, %dma_start3A_33] : memref<200x128xf32, #tpu.memory_space<vmem>> -> memref<104x128xf32, #tpu.memory_space<vmem>>
      %dma_start3A_35 = arith.constant 0 : i32
      %dma_start3A_36 = arith.constant 0 : i32
      %dma_start3A_37 = tpu.memref_slice %arg4[%dma_start3A_35, %dma_start3A_36] : memref<20000x128xf32, #tpu.memory_space<hbm>> -> memref<20000x128xf32, #tpu.memory_space<hbm>>
      tpu.enqueue_indirect_dma source(%dma_start3A_37 : memref<20000x128xf32, #tpu.memory_space<hbm>>) target(%dma_start3A_34 : memref<104x128xf32, #tpu.memory_space<vmem>>) offsets(%arg8 : memref<104xi32, #tpu.memory_space<vmem>>) semaphore(%arg13 : memref<!tpu.dma_semaphore, #tpu.memory_space<semaphore_mem>>)
      %dma_wait3A = arith.constant 0 : i32
      %dma_wait3A_38 = arith.constant 0 : i32
      %dma_wait3A_39 = tpu.memref_slice %arg12[%dma_wait3A, %dma_wait3A_38] : memref<200x128xf32, #tpu.memory_space<vmem>> -> memref<104x128xf32, #tpu.memory_space<vmem>>
      %dma_wait3A_40 = arith.constant 0 : i32
      %dma_wait3A_41 = arith.constant 0 : i32
      %dma_wait3A_42 = tpu.memref_slice %arg4[%dma_wait3A_40, %dma_wait3A_41] : memref<20000x128xf32, #tpu.memory_space<hbm>> -> memref<20000x128xf32, #tpu.memory_space<hbm>>
      tpu.wait_indirect_dma semaphore(%arg13 : memref<!tpu.dma_semaphore, #tpu.memory_space<semaphore_mem>>) src(%dma_wait3A_42 : memref<20000x128xf32, #tpu.memory_space<hbm>>) dst(%dma_wait3A_39 : memref<104x128xf32, #tpu.memory_space<vmem>>)
      %dma_start3A_43 = arith.constant 104 : i32
      %dma_start3A_44 = arith.constant 0 : i32
      %dma_start3A_45 = tpu.memref_slice %arg12[%dma_start3A_43, %dma_start3A_44] : memref<200x128xf32, #tpu.memory_space<vmem>> -> memref<96x128xf32, #tpu.memory_space<vmem>>
      %dma_start3A_46 = arith.constant 0 : i32
      %dma_start3A_47 = arith.constant 0 : i32
      %dma_start3A_48 = tpu.memref_slice %arg4[%dma_start3A_46, %dma_start3A_47] : memref<20000x128xf32, #tpu.memory_space<hbm>> -> memref<20000x128xf32, #tpu.memory_space<hbm>>
      tpu.enqueue_indirect_dma source(%dma_start3A_48 : memref<20000x128xf32, #tpu.memory_space<hbm>>) target(%dma_start3A_45 : memref<96x128xf32, #tpu.memory_space<vmem>>) offsets(%arg9 : memref<96xi32, #tpu.memory_space<vmem>>) semaphore(%arg13 : memref<!tpu.dma_semaphore, #tpu.memory_space<semaphore_mem>>)
      %dma_wait3A_49 = arith.constant 104 : i32
      %dma_wait3A_50 = arith.constant 0 : i32
      %dma_wait3A_51 = tpu.memref_slice %arg12[%dma_wait3A_49, %dma_wait3A_50] : memref<200x128xf32, #tpu.memory_space<vmem>> -> memref<96x128xf32, #tpu.memory_space<vmem>>
      %dma_wait3A_52 = arith.constant 0 : i32
      %dma_wait3A_53 = arith.constant 0 : i32
      %dma_wait3A_54 = tpu.memref_slice %arg4[%dma_wait3A_52, %dma_wait3A_53] : memref<20000x128xf32, #tpu.memory_space<hbm>> -> memref<20000x128xf32, #tpu.memory_space<hbm>>
      tpu.wait_indirect_dma semaphore(%arg13 : memref<!tpu.dma_semaphore, #tpu.memory_space<semaphore_mem>>) src(%dma_wait3A_54 : memref<20000x128xf32, #tpu.memory_space<hbm>>) dst(%dma_wait3A_51 : memref<96x128xf32, #tpu.memory_space<vmem>>)
      "tpu.region"() ({
        %run_scoped3A = tpu.sem_alloc : memref<!tpu.dma_semaphore, #tpu.memory_space<semaphore_mem>>
        %dma_start3A_55 = arith.constant 0 : i32
        %dma_start3A_56 = arith.constant 0 : i32
        %dma_start3A_57 = tpu.memref_slice %arg12[%dma_start3A_55, %dma_start3A_56] : memref<200x128xf32, #tpu.memory_space<vmem>> -> memref<104x128xf32, #tpu.memory_space<vmem>>
        %dma_start3A_58 = arith.constant 0 : i32
        %dma_start3A_59 = arith.constant 0 : i32
        %dma_start3A_60 = tpu.memref_slice %arg7[%dma_start3A_58, %dma_start3A_59] : memref<10000x128xf32, #tpu.memory_space<vmem_shared>> -> memref<10000x128xf32, #tpu.memory_space<vmem_shared>>
        tpu.enqueue_indirect_dma source(%dma_start3A_57 : memref<104x128xf32, #tpu.memory_space<vmem>>) target(%dma_start3A_60 : memref<10000x128xf32, #tpu.memory_space<vmem_shared>>) offsets(%arg10 : memref<104xi32, #tpu.memory_space<vmem>>) semaphore(%run_scoped3A : memref<!tpu.dma_semaphore, #tpu.memory_space<semaphore_mem>>) {add = true}
        %dma_wait3A_61 = arith.constant 0 : i32
        %dma_wait3A_62 = arith.constant 0 : i32
        %dma_wait3A_63 = tpu.memref_slice %arg12[%dma_wait3A_61, %dma_wait3A_62] : memref<200x128xf32, #tpu.memory_space<vmem>> -> memref<104x128xf32, #tpu.memory_space<vmem>>
        %dma_wait3A_64 = arith.constant 0 : i32
        %dma_wait3A_65 = arith.constant 0 : i32
        %dma_wait3A_66 = tpu.memref_slice %arg7[%dma_wait3A_64, %dma_wait3A_65] : memref<10000x128xf32, #tpu.memory_space<vmem_shared>> -> memref<10000x128xf32, #tpu.memory_space<vmem_shared>>
        tpu.wait_indirect_dma semaphore(%run_scoped3A : memref<!tpu.dma_semaphore, #tpu.memory_space<semaphore_mem>>) src(%dma_wait3A_63 : memref<104x128xf32, #tpu.memory_space<vmem>>) dst(%dma_wait3A_66 : memref<10000x128xf32, #tpu.memory_space<vmem_shared>>)
        tpu.yield
      }) : () -> ()
      "tpu.region"() ({
        %run_scoped3A = tpu.sem_alloc : memref<!tpu.dma_semaphore, #tpu.memory_space<semaphore_mem>>
        %dma_start3A_55 = arith.constant 104 : i32
        %dma_start3A_56 = arith.constant 0 : i32
        %dma_start3A_57 = tpu.memref_slice %arg12[%dma_start3A_55, %dma_start3A_56] : memref<200x128xf32, #tpu.memory_space<vmem>> -> memref<96x128xf32, #tpu.memory_space<vmem>>
        %dma_start3A_58 = arith.constant 0 : i32
        %dma_start3A_59 = arith.constant 0 : i32
        %dma_start3A_60 = tpu.memref_slice %arg7[%dma_start3A_58, %dma_start3A_59] : memref<10000x128xf32, #tpu.memory_space<vmem_shared>> -> memref<10000x128xf32, #tpu.memory_space<vmem_shared>>
        tpu.enqueue_indirect_dma source(%dma_start3A_57 : memref<96x128xf32, #tpu.memory_space<vmem>>) target(%dma_start3A_60 : memref<10000x128xf32, #tpu.memory_space<vmem_shared>>) offsets(%arg11 : memref<96xi32, #tpu.memory_space<vmem>>) semaphore(%run_scoped3A : memref<!tpu.dma_semaphore, #tpu.memory_space<semaphore_mem>>) {add = true}
        %dma_wait3A_61 = arith.constant 104 : i32
        %dma_wait3A_62 = arith.constant 0 : i32
        %dma_wait3A_63 = tpu.memref_slice %arg12[%dma_wait3A_61, %dma_wait3A_62] : memref<200x128xf32, #tpu.memory_space<vmem>> -> memref<96x128xf32, #tpu.memory_space<vmem>>
        %dma_wait3A_64 = arith.constant 0 : i32
        %dma_wait3A_65 = arith.constant 0 : i32
        %dma_wait3A_66 = tpu.memref_slice %arg7[%dma_wait3A_64, %dma_wait3A_65] : memref<10000x128xf32, #tpu.memory_space<vmem_shared>> -> memref<10000x128xf32, #tpu.memory_space<vmem_shared>>
        tpu.wait_indirect_dma semaphore(%run_scoped3A : memref<!tpu.dma_semaphore, #tpu.memory_space<semaphore_mem>>) src(%dma_wait3A_63 : memref<96x128xf32, #tpu.memory_space<vmem>>) dst(%dma_wait3A_66 : memref<10000x128xf32, #tpu.memory_space<vmem_shared>>)
        tpu.yield
      }) : () -> ()
    }
    %scan3A_10 = arith.constant 50 : i32
    %barrier3A_11 = arith.constant 0 : index
    tpu.barrier barrier_id(%barrier3A_11)
    %lt3A_12 = arith.constant 15 : i32
    %lt3A_13 = arith.cmpi slt, %arg1, %lt3A_12 : i32
    %convert_element_type3A_14 = arith.extui %lt3A_13 : i1 to i32
    %cond3A_15 = arith.constant 0 : i32
    %cond3A_16 = arith.cmpi ne, %convert_element_type3A_14, %cond3A_15 : i32
    scf.if %cond3A_16 {
      %mul3A = arith.constant 640 : i32
      %mul3A_22 = arith.muli %arg1, %mul3A : i32
      %mul3A_23 = arith.constant 640 : i32
      %mul3A_24 = arith.muli %arg1, %mul3A_23 : i32
      "tpu.region"() ({
        %run_scoped3A = tpu.sem_alloc : memref<!tpu.dma_semaphore, #tpu.memory_space<semaphore_mem>>
        %dma_start3A = arith.constant 0 : i32
        %dma_start3A_25 = tpu.memref_slice %arg6[%arg0, %mul3A_24, %dma_start3A] : memref<2x10000x128xf32, #tpu.memory_space<hbm>> -> memref<1x640x128xf32, #tpu.memory_space<hbm>>
        %dma_start3A_26 = tpu.memref_squeeze %dma_start3A_25 : memref<1x640x128xf32, #tpu.memory_space<hbm>> -> memref<640x128xf32, #tpu.memory_space<hbm>>
        %dma_start3A_27 = arith.constant 0 : i32
        %dma_start3A_28 = tpu.memref_slice %arg7[%mul3A_22, %dma_start3A_27] : memref<10000x128xf32, #tpu.memory_space<vmem_shared>> -> memref<640x128xf32, #tpu.memory_space<vmem_shared>>
        tpu.enqueue_dma source(%dma_start3A_28 : memref<640x128xf32, #tpu.memory_space<vmem_shared>>) target(%dma_start3A_26 : memref<640x128xf32, #tpu.memory_space<hbm>>) target_semaphore(%run_scoped3A : memref<!tpu.dma_semaphore, #tpu.memory_space<semaphore_mem>>)
        %dma_wait3A = arith.constant 0 : i32
        %dma_wait3A_29 = tpu.memref_slice %arg6[%arg0, %mul3A_24, %dma_wait3A] : memref<2x10000x128xf32, #tpu.memory_space<hbm>> -> memref<1x640x128xf32, #tpu.memory_space<hbm>>
        %dma_wait3A_30 = tpu.memref_squeeze %dma_wait3A_29 : memref<1x640x128xf32, #tpu.memory_space<hbm>> -> memref<640x128xf32, #tpu.memory_space<hbm>>
        %dma_wait3A_31 = arith.constant 0 : i32
        %dma_wait3A_32 = tpu.memref_slice %arg7[%mul3A_22, %dma_wait3A_31] : memref<10000x128xf32, #tpu.memory_space<vmem_shared>> -> memref<640x128xf32, #tpu.memory_space<vmem_shared>>
        tpu.wait_dma2 semaphore(%run_scoped3A : memref<!tpu.dma_semaphore, #tpu.memory_space<semaphore_mem>>) src(%dma_wait3A_32 : memref<640x128xf32, #tpu.memory_space<vmem_shared>>) dst(%dma_wait3A_30 : memref<640x128xf32, #tpu.memory_space<hbm>>)
        tpu.yield
      }) : () -> ()
    } else {
    }
    %eq3A_17 = arith.constant 15 : i32
    %eq3A_18 = arith.cmpi eq, %arg1, %eq3A_17 : i32
    %convert_element_type3A_19 = arith.extui %eq3A_18 : i1 to i32
    %cond3A_20 = arith.constant 0 : i32
    %cond3A_21 = arith.cmpi ne, %convert_element_type3A_19, %cond3A_20 : i32
    scf.if %cond3A_21 {
      "tpu.region"() ({
        %run_scoped3A = tpu.sem_alloc : memref<!tpu.dma_semaphore, #tpu.memory_space<semaphore_mem>>
        %dma_start3A = arith.constant 9600 : i32
        %dma_start3A_22 = arith.constant 0 : i32
        %dma_start3A_23 = tpu.memref_slice %arg6[%arg0, %dma_start3A, %dma_start3A_22] : memref<2x10000x128xf32, #tpu.memory_space<hbm>> -> memref<1x400x128xf32, #tpu.memory_space<hbm>>
        %dma_start3A_24 = tpu.memref_squeeze %dma_start3A_23 : memref<1x400x128xf32, #tpu.memory_space<hbm>> -> memref<400x128xf32, #tpu.memory_space<hbm>>
        %dma_start3A_25 = arith.constant 9600 : i32
        %dma_start3A_26 = arith.constant 0 : i32
        %dma_start3A_27 = tpu.memref_slice %arg7[%dma_start3A_25, %dma_start3A_26] : memref<10000x128xf32, #tpu.memory_space<vmem_shared>> -> memref<400x128xf32, #tpu.memory_space<vmem_shared>>
        tpu.enqueue_dma source(%dma_start3A_27 : memref<400x128xf32, #tpu.memory_space<vmem_shared>>) target(%dma_start3A_24 : memref<400x128xf32, #tpu.memory_space<hbm>>) target_semaphore(%run_scoped3A : memref<!tpu.dma_semaphore, #tpu.memory_space<semaphore_mem>>)
        %dma_wait3A = arith.constant 9600 : i32
        %dma_wait3A_28 = arith.constant 0 : i32
        %dma_wait3A_29 = tpu.memref_slice %arg6[%arg0, %dma_wait3A, %dma_wait3A_28] : memref<2x10000x128xf32, #tpu.memory_space<hbm>> -> memref<1x400x128xf32, #tpu.memory_space<hbm>>
        %dma_wait3A_30 = tpu.memref_squeeze %dma_wait3A_29 : memref<1x400x128xf32, #tpu.memory_space<hbm>> -> memref<400x128xf32, #tpu.memory_space<hbm>>
        %dma_wait3A_31 = arith.constant 9600 : i32
        %dma_wait3A_32 = arith.constant 0 : i32
        %dma_wait3A_33 = tpu.memref_slice %arg7[%dma_wait3A_31, %dma_wait3A_32] : memref<10000x128xf32, #tpu.memory_space<vmem_shared>> -> memref<400x128xf32, #tpu.memory_space<vmem_shared>>
        tpu.wait_dma2 semaphore(%run_scoped3A : memref<!tpu.dma_semaphore, #tpu.memory_space<semaphore_mem>>) src(%dma_wait3A_33 : memref<400x128xf32, #tpu.memory_space<vmem_shared>>) dst(%dma_wait3A_30 : memref<400x128xf32, #tpu.memory_space<hbm>>)
        tpu.yield
      }) : () -> ()
    } else {
    }
    return
  }
}

#map = affine_map<(d0, d1) -> (0)>
#map1 = affine_map<(d0, d1) -> (0, 0)>
#map2 = affine_map<(d0, d1) -> (0, 0, 0)>
module attributes {stable_mosaic.version = 14 : i64} {
  func.func @_sc_deg_rel(%arg0: i32, %arg1: i32, %arg2: memref<160000xi32, #tpu.memory_space<hbm>>, %arg3: memref<160000xi32, #tpu.memory_space<hbm>>, %arg4: memref<160000xi32, #tpu.memory_space<hbm>>, %arg5: memref<237x200xf32, #tpu.memory_space<hbm>>, %arg6: memref<10x32x1000xi32, #tpu.memory_space<hbm>>, %arg7: memref<10x32x1000xi32, #tpu.memory_space<hbm>>, %arg8: memref<160000x200xf32, #tpu.memory_space<hbm>>, %arg9: memref<5016xi32, #tpu.memory_space<vmem>>, %arg10: memref<5016xi32, #tpu.memory_space<vmem>>, %arg11: memref<10000xi32, #tpu.memory_space<vmem>>, %arg12: memref<10000xi32, #tpu.memory_space<vmem>>, %arg13: memref<104xi32, #tpu.memory_space<vmem>>, %arg14: memref<96xi32, #tpu.memory_space<vmem>>, %arg15: memref<200x200xf32, #tpu.memory_space<vmem>>, %arg16: memref<!tpu.dma_semaphore, #tpu.memory_space<semaphore_mem>>) attributes {dimension_semantics = [#tpu.dimension_semantics<core_parallel>, #tpu.dimension_semantics<subcore_parallel>], iteration_bounds = array<i64: 2, 16>, scalar_prefetch = 0 : i64, scratch_operands = 8 : i64, tpu.core_type = #tpu.core_type<sc_vector_subcore>, window_params = [{transform_indices = #map}, {transform_indices = #map}, {transform_indices = #map}, {transform_indices = #map1}, {transform_indices = #map2}, {transform_indices = #map2}, {transform_indices = #map1}]} {
    %mul3A = arith.constant 2 : i32
    %mul3A_0 = arith.muli %arg1, %mul3A : i32
    %add3A = arith.addi %mul3A_0, %arg0 : i32
    %broadcast_in_dim3A = arith.constant 0 : i32
    %broadcast_in_dim3A_1 = vector.broadcast %broadcast_in_dim3A : i32 to vector<16xi32>
    %broadcast_in_dim3A_2 = arith.constant 1 : i32
    %broadcast_in_dim3A_3 = vector.broadcast %broadcast_in_dim3A_2 : i32 to vector<16xi32>
    %scan3A = arith.constant 0 : i32
    %scan3A_4 = arith.constant 0 : i32
    %scan3A_5 = arith.constant 625 : i32
    %scan3A_6 = arith.addi %scan3A_4, %scan3A_5 : i32
    %scan3A_7 = arith.constant 1 : i32
    scf.for %scan3A_44 = %scan3A_4 to %scan3A_6 step %scan3A_7  : i32 {
      %mul3A_45 = arith.constant 16 : i32
      %mul3A_46 = arith.muli %scan3A_44, %mul3A_45 : i32
      %swap3A_47 = arith.index_cast %mul3A_46 : i32 to index
      %swap3A_48 = tpu.vector_load %arg11[%swap3A_47] {strides = array<i32>} : memref<10000xi32, #tpu.memory_space<vmem>>, vector<16xi32>,
      tpu.vector_store %arg11[%swap3A_47], %broadcast_in_dim3A_1 {strides = array<i32>} : memref<10000xi32, #tpu.memory_space<vmem>>, vector<16xi32>,
      %mul3A_49 = arith.constant 16 : i32
      %mul3A_50 = arith.muli %scan3A_44, %mul3A_49 : i32
      %swap3A_51 = arith.index_cast %mul3A_50 : i32 to index
      %swap3A_52 = tpu.vector_load %arg12[%swap3A_51] {strides = array<i32>} : memref<10000xi32, #tpu.memory_space<vmem>>, vector<16xi32>,
      tpu.vector_store %arg12[%swap3A_51], %broadcast_in_dim3A_1 {strides = array<i32>} : memref<10000xi32, #tpu.memory_space<vmem>>, vector<16xi32>,
    }
    %scan3A_8 = arith.constant 625 : i32
    %swap3A = arith.constant 4992 : index
    %swap3A_9 = tpu.vector_load %arg9[%swap3A] {strides = array<i32>} : memref<5016xi32, #tpu.memory_space<vmem>>, vector<16xi32>,
    tpu.vector_store %arg9[%swap3A], %broadcast_in_dim3A_1 {strides = array<i32>} : memref<5016xi32, #tpu.memory_space<vmem>>, vector<16xi32>,
    %swap3A_10 = arith.constant 4992 : index
    %swap3A_11 = tpu.vector_load %arg10[%swap3A_10] {strides = array<i32>} : memref<5016xi32, #tpu.memory_space<vmem>>, vector<16xi32>,
    tpu.vector_store %arg10[%swap3A_10], %broadcast_in_dim3A_1 {strides = array<i32>} : memref<5016xi32, #tpu.memory_space<vmem>>, vector<16xi32>,
    %scan3A_12 = arith.constant 0 : i32
    %scan3A_13 = arith.constant 0 : i32
    %scan3A_14 = arith.constant 25 : i32
    %scan3A_15 = arith.addi %scan3A_13, %scan3A_14 : i32
    %scan3A_16 = arith.constant 1 : i32
    scf.for %scan3A_44 = %scan3A_13 to %scan3A_15 step %scan3A_16  : i32 {
      %mul3A_45 = arith.constant 32 : i32
      %mul3A_46 = arith.muli %scan3A_44, %mul3A_45 : i32
      %add3A_47 = arith.addi %add3A, %mul3A_46 : i32
      %mul3A_48 = arith.constant 200 : i32
      %mul3A_49 = arith.muli %add3A_47, %mul3A_48 : i32
      %mul3A_50 = arith.constant 200 : i32
      %mul3A_51 = arith.muli %scan3A_44, %mul3A_50 : i32
      "tpu.region"() ({
        %run_scoped3A = tpu.sem_alloc : memref<!tpu.dma_semaphore, #tpu.memory_space<semaphore_mem>>
        %dma_start3A = tpu.memref_slice %arg9[%mul3A_51] : memref<5016xi32, #tpu.memory_space<vmem>> -> memref<200xi32, #tpu.memory_space<vmem>>
        %dma_start3A_54 = tpu.memref_slice %arg2[%mul3A_49] : memref<160000xi32, #tpu.memory_space<hbm>> -> memref<200xi32, #tpu.memory_space<hbm>>
        %dma_start3A_55 = tpu.memref_slice %arg9[%mul3A_51] : memref<5016xi32, #tpu.memory_space<vmem>> -> memref<200xi32, #tpu.memory_space<vmem>>
        %dma_start3A_56 = tpu.memref_slice %arg2[%mul3A_49] : memref<160000xi32, #tpu.memory_space<hbm>> -> memref<200xi32, #tpu.memory_space<hbm>>
        tpu.enqueue_dma source(%dma_start3A_56 : memref<200xi32, #tpu.memory_space<hbm>>) target(%dma_start3A_55 : memref<200xi32, #tpu.memory_space<vmem>>) target_semaphore(%run_scoped3A : memref<!tpu.dma_semaphore, #tpu.memory_space<semaphore_mem>>)
        %dma_wait3A = tpu.memref_slice %arg9[%mul3A_51] : memref<5016xi32, #tpu.memory_space<vmem>> -> memref<200xi32, #tpu.memory_space<vmem>>
        %dma_wait3A_57 = tpu.memref_slice %arg2[%mul3A_49] : memref<160000xi32, #tpu.memory_space<hbm>> -> memref<200xi32, #tpu.memory_space<hbm>>
        %dma_wait3A_58 = tpu.memref_slice %arg9[%mul3A_51] : memref<5016xi32, #tpu.memory_space<vmem>> -> memref<200xi32, #tpu.memory_space<vmem>>
        %dma_wait3A_59 = tpu.memref_slice %arg2[%mul3A_49] : memref<160000xi32, #tpu.memory_space<hbm>> -> memref<200xi32, #tpu.memory_space<hbm>>
        tpu.wait_dma2 semaphore(%run_scoped3A : memref<!tpu.dma_semaphore, #tpu.memory_space<semaphore_mem>>) src(%dma_wait3A_59 : memref<200xi32, #tpu.memory_space<hbm>>) dst(%dma_wait3A_58 : memref<200xi32, #tpu.memory_space<vmem>>)
        tpu.yield
      }) : () -> ()
      %mul3A_52 = arith.constant 200 : i32
      %mul3A_53 = arith.muli %scan3A_44, %mul3A_52 : i32
      "tpu.region"() ({
        %run_scoped3A = tpu.sem_alloc : memref<!tpu.dma_semaphore, #tpu.memory_space<semaphore_mem>>
        %dma_start3A = tpu.memref_slice %arg10[%mul3A_53] : memref<5016xi32, #tpu.memory_space<vmem>> -> memref<200xi32, #tpu.memory_space<vmem>>
        %dma_start3A_54 = tpu.memref_slice %arg3[%mul3A_49] : memref<160000xi32, #tpu.memory_space<hbm>> -> memref<200xi32, #tpu.memory_space<hbm>>
        %dma_start3A_55 = tpu.memref_slice %arg10[%mul3A_53] : memref<5016xi32, #tpu.memory_space<vmem>> -> memref<200xi32, #tpu.memory_space<vmem>>
        %dma_start3A_56 = tpu.memref_slice %arg3[%mul3A_49] : memref<160000xi32, #tpu.memory_space<hbm>> -> memref<200xi32, #tpu.memory_space<hbm>>
        tpu.enqueue_dma source(%dma_start3A_56 : memref<200xi32, #tpu.memory_space<hbm>>) target(%dma_start3A_55 : memref<200xi32, #tpu.memory_space<vmem>>) target_semaphore(%run_scoped3A : memref<!tpu.dma_semaphore, #tpu.memory_space<semaphore_mem>>)
        %dma_wait3A = tpu.memref_slice %arg10[%mul3A_53] : memref<5016xi32, #tpu.memory_space<vmem>> -> memref<200xi32, #tpu.memory_space<vmem>>
        %dma_wait3A_57 = tpu.memref_slice %arg3[%mul3A_49] : memref<160000xi32, #tpu.memory_space<hbm>> -> memref<200xi32, #tpu.memory_space<hbm>>
        %dma_wait3A_58 = tpu.memref_slice %arg10[%mul3A_53] : memref<5016xi32, #tpu.memory_space<vmem>> -> memref<200xi32, #tpu.memory_space<vmem>>
        %dma_wait3A_59 = tpu.memref_slice %arg3[%mul3A_49] : memref<160000xi32, #tpu.memory_space<hbm>> -> memref<200xi32, #tpu.memory_space<hbm>>
        tpu.wait_dma2 semaphore(%run_scoped3A : memref<!tpu.dma_semaphore, #tpu.memory_space<semaphore_mem>>) src(%dma_wait3A_59 : memref<200xi32, #tpu.memory_space<hbm>>) dst(%dma_wait3A_58 : memref<200xi32, #tpu.memory_space<vmem>>)
        tpu.yield
      }) : () -> ()
    }
    %scan3A_17 = arith.constant 25 : i32
    %scan3A_18 = arith.constant 0 : i32
    %scan3A_19 = arith.constant 0 : i32
    %scan3A_20 = arith.constant 312 : i32
    %scan3A_21 = arith.addi %scan3A_19, %scan3A_20 : i32
    %scan3A_22 = arith.constant 1 : i32
    scf.for %scan3A_44 = %scan3A_19 to %scan3A_21 step %scan3A_22  : i32 {
      %mul3A_45 = arith.constant 16 : i32
      %mul3A_46 = arith.muli %scan3A_44, %mul3A_45 : i32
      %get3A_47 = arith.index_cast %mul3A_46 : i32 to index
      %get3A_48 = tpu.vector_load %arg9[%get3A_47] {strides = array<i32>} : memref<5016xi32, #tpu.memory_space<vmem>>, vector<16xi32>,
      %broadcast_in_dim3A_49 = arith.constant true
      %broadcast_in_dim3A_50 = vector.broadcast %broadcast_in_dim3A_49 : i1 to vector<16xi1>
      %unique3A_51, %unique3A_52 = tpu.scan_count mask(%broadcast_in_dim3A_50 : vector<16xi1>) value(%get3A_48 : vector<16xi32>) : vector<16xi1>, vector<16xi32>
      tpu.vector_store_idx %arg11[%get3A_48], %unique3A_52 masked %unique3A_51 {add = true} : memref<10000xi32, #tpu.memory_space<vmem>>[vector<16xi32>], vector<16xi32>, vector<16xi1>
      %mul3A_53 = arith.constant 16 : i32
      %mul3A_54 = arith.muli %scan3A_44, %mul3A_53 : i32
      %get3A_55 = arith.index_cast %mul3A_54 : i32 to index
      %get3A_56 = tpu.vector_load %arg10[%get3A_55] {strides = array<i32>} : memref<5016xi32, #tpu.memory_space<vmem>>, vector<16xi32>,
      %broadcast_in_dim3A_57 = arith.constant true
      %broadcast_in_dim3A_58 = vector.broadcast %broadcast_in_dim3A_57 : i1 to vector<16xi1>
      %unique3A_59, %unique3A_60 = tpu.scan_count mask(%broadcast_in_dim3A_58 : vector<16xi1>) value(%get3A_56 : vector<16xi32>) : vector<16xi1>, vector<16xi32>
      tpu.vector_store_idx %arg12[%get3A_56], %unique3A_60 masked %unique3A_59 {add = true} : memref<10000xi32, #tpu.memory_space<vmem>>[vector<16xi32>], vector<16xi32>, vector<16xi1>
    }
    %scan3A_23 = arith.constant 312 : i32
    %iota3A = tpu.iota {dimensions = array<i32: 0>} : vector<16xi32>
    %lt3A = arith.constant 8 : i32
    %lt3A_24 = vector.broadcast %lt3A : i32 to vector<16xi32>
    %lt3A_25 = arith.cmpi slt, %iota3A, %lt3A_24 : vector<16xi32>
    %get3A = arith.constant 4992 : index
    %get3A_26 = tpu.vector_load %arg9[%get3A] {strides = array<i32>} : memref<5016xi32, #tpu.memory_space<vmem>>, vector<16xi32>,
    %unique3A, %unique3A_27 = tpu.scan_count mask(%lt3A_25 : vector<16xi1>) value(%get3A_26 : vector<16xi32>) : vector<16xi1>, vector<16xi32>
    tpu.vector_store_idx %arg11[%get3A_26], %unique3A_27 masked %unique3A {add = true} : memref<10000xi32, #tpu.memory_space<vmem>>[vector<16xi32>], vector<16xi32>, vector<16xi1>
    %get3A_28 = arith.constant 4992 : index
    %get3A_29 = tpu.vector_load %arg10[%get3A_28] {strides = array<i32>} : memref<5016xi32, #tpu.memory_space<vmem>>, vector<16xi32>,
    %unique3A_30, %unique3A_31 = tpu.scan_count mask(%lt3A_25 : vector<16xi1>) value(%get3A_29 : vector<16xi32>) : vector<16xi1>, vector<16xi32>
    tpu.vector_store_idx %arg12[%get3A_29], %unique3A_31 masked %unique3A_30 {add = true} : memref<10000xi32, #tpu.memory_space<vmem>>[vector<16xi32>], vector<16xi32>, vector<16xi1>
    %scan3A_32 = arith.constant 0 : i32
    %scan3A_33 = arith.constant 0 : i32
    %scan3A_34 = arith.constant 10 : i32
    %scan3A_35 = arith.addi %scan3A_33, %scan3A_34 : i32
    %scan3A_36 = arith.constant 1 : i32
    scf.for %scan3A_44 = %scan3A_33 to %scan3A_35 step %scan3A_36  : i32 {
      %mul3A_45 = arith.constant 1000 : i32
      %mul3A_46 = arith.muli %scan3A_44, %mul3A_45 : i32
      "tpu.region"() ({
        %run_scoped3A = tpu.sem_alloc : memref<!tpu.dma_semaphore, #tpu.memory_space<semaphore_mem>>
        %dma_start3A = tpu.memref_slice %arg11[%mul3A_46] : memref<10000xi32, #tpu.memory_space<vmem>> -> memref<1000xi32, #tpu.memory_space<vmem>>
        %dma_start3A_49 = arith.constant 0 : i32
        %dma_start3A_50 = tpu.memref_slice %arg6[%scan3A_44, %add3A, %dma_start3A_49] : memref<10x32x1000xi32, #tpu.memory_space<hbm>> -> memref<1x1x1000xi32, #tpu.memory_space<hbm>>
        %dma_start3A_51 = tpu.memref_squeeze %dma_start3A_50 : memref<1x1x1000xi32, #tpu.memory_space<hbm>> -> memref<1000xi32, #tpu.memory_space<hbm>>
        %dma_start3A_52 = arith.constant 0 : i32
        %dma_start3A_53 = tpu.memref_slice %arg6[%scan3A_44, %add3A, %dma_start3A_52] : memref<10x32x1000xi32, #tpu.memory_space<hbm>> -> memref<1x1x1000xi32, #tpu.memory_space<hbm>>
        %dma_start3A_54 = tpu.memref_squeeze %dma_start3A_53 : memref<1x1x1000xi32, #tpu.memory_space<hbm>> -> memref<1000xi32, #tpu.memory_space<hbm>>
        %dma_start3A_55 = tpu.memref_slice %arg11[%mul3A_46] : memref<10000xi32, #tpu.memory_space<vmem>> -> memref<1000xi32, #tpu.memory_space<vmem>>
        tpu.enqueue_dma source(%dma_start3A_55 : memref<1000xi32, #tpu.memory_space<vmem>>) target(%dma_start3A_54 : memref<1000xi32, #tpu.memory_space<hbm>>) target_semaphore(%run_scoped3A : memref<!tpu.dma_semaphore, #tpu.memory_space<semaphore_mem>>)
        %dma_wait3A = tpu.memref_slice %arg11[%mul3A_46] : memref<10000xi32, #tpu.memory_space<vmem>> -> memref<1000xi32, #tpu.memory_space<vmem>>
        %dma_wait3A_56 = arith.constant 0 : i32
        %dma_wait3A_57 = tpu.memref_slice %arg6[%scan3A_44, %add3A, %dma_wait3A_56] : memref<10x32x1000xi32, #tpu.memory_space<hbm>> -> memref<1x1x1000xi32, #tpu.memory_space<hbm>>
        %dma_wait3A_58 = tpu.memref_squeeze %dma_wait3A_57 : memref<1x1x1000xi32, #tpu.memory_space<hbm>> -> memref<1000xi32, #tpu.memory_space<hbm>>
        %dma_wait3A_59 = arith.constant 0 : i32
        %dma_wait3A_60 = tpu.memref_slice %arg6[%scan3A_44, %add3A, %dma_wait3A_59] : memref<10x32x1000xi32, #tpu.memory_space<hbm>> -> memref<1x1x1000xi32, #tpu.memory_space<hbm>>
        %dma_wait3A_61 = tpu.memref_squeeze %dma_wait3A_60 : memref<1x1x1000xi32, #tpu.memory_space<hbm>> -> memref<1000xi32, #tpu.memory_space<hbm>>
        %dma_wait3A_62 = tpu.memref_slice %arg11[%mul3A_46] : memref<10000xi32, #tpu.memory_space<vmem>> -> memref<1000xi32, #tpu.memory_space<vmem>>
        tpu.wait_dma2 semaphore(%run_scoped3A : memref<!tpu.dma_semaphore, #tpu.memory_space<semaphore_mem>>) src(%dma_wait3A_62 : memref<1000xi32, #tpu.memory_space<vmem>>) dst(%dma_wait3A_61 : memref<1000xi32, #tpu.memory_space<hbm>>)
        tpu.yield
      }) : () -> ()
      %mul3A_47 = arith.constant 1000 : i32
      %mul3A_48 = arith.muli %scan3A_44, %mul3A_47 : i32
      "tpu.region"() ({
        %run_scoped3A = tpu.sem_alloc : memref<!tpu.dma_semaphore, #tpu.memory_space<semaphore_mem>>
        %dma_start3A = tpu.memref_slice %arg12[%mul3A_48] : memref<10000xi32, #tpu.memory_space<vmem>> -> memref<1000xi32, #tpu.memory_space<vmem>>
        %dma_start3A_49 = arith.constant 0 : i32
        %dma_start3A_50 = tpu.memref_slice %arg7[%scan3A_44, %add3A, %dma_start3A_49] : memref<10x32x1000xi32, #tpu.memory_space<hbm>> -> memref<1x1x1000xi32, #tpu.memory_space<hbm>>
        %dma_start3A_51 = tpu.memref_squeeze %dma_start3A_50 : memref<1x1x1000xi32, #tpu.memory_space<hbm>> -> memref<1000xi32, #tpu.memory_space<hbm>>
        %dma_start3A_52 = arith.constant 0 : i32
        %dma_start3A_53 = tpu.memref_slice %arg7[%scan3A_44, %add3A, %dma_start3A_52] : memref<10x32x1000xi32, #tpu.memory_space<hbm>> -> memref<1x1x1000xi32, #tpu.memory_space<hbm>>
        %dma_start3A_54 = tpu.memref_squeeze %dma_start3A_53 : memref<1x1x1000xi32, #tpu.memory_space<hbm>> -> memref<1000xi32, #tpu.memory_space<hbm>>
        %dma_start3A_55 = tpu.memref_slice %arg12[%mul3A_48] : memref<10000xi32, #tpu.memory_space<vmem>> -> memref<1000xi32, #tpu.memory_space<vmem>>
        tpu.enqueue_dma source(%dma_start3A_55 : memref<1000xi32, #tpu.memory_space<vmem>>) target(%dma_start3A_54 : memref<1000xi32, #tpu.memory_space<hbm>>) target_semaphore(%run_scoped3A : memref<!tpu.dma_semaphore, #tpu.memory_space<semaphore_mem>>)
        %dma_wait3A = tpu.memref_slice %arg12[%mul3A_48] : memref<10000xi32, #tpu.memory_space<vmem>> -> memref<1000xi32, #tpu.memory_space<vmem>>
        %dma_wait3A_56 = arith.constant 0 : i32
        %dma_wait3A_57 = tpu.memref_slice %arg7[%scan3A_44, %add3A, %dma_wait3A_56] : memref<10x32x1000xi32, #tpu.memory_space<hbm>> -> memref<1x1x1000xi32, #tpu.memory_space<hbm>>
        %dma_wait3A_58 = tpu.memref_squeeze %dma_wait3A_57 : memref<1x1x1000xi32, #tpu.memory_space<hbm>> -> memref<1000xi32, #tpu.memory_space<hbm>>
        %dma_wait3A_59 = arith.constant 0 : i32
        %dma_wait3A_60 = tpu.memref_slice %arg7[%scan3A_44, %add3A, %dma_wait3A_59] : memref<10x32x1000xi32, #tpu.memory_space<hbm>> -> memref<1x1x1000xi32, #tpu.memory_space<hbm>>
        %dma_wait3A_61 = tpu.memref_squeeze %dma_wait3A_60 : memref<1x1x1000xi32, #tpu.memory_space<hbm>> -> memref<1000xi32, #tpu.memory_space<hbm>>
        %dma_wait3A_62 = tpu.memref_slice %arg12[%mul3A_48] : memref<10000xi32, #tpu.memory_space<vmem>> -> memref<1000xi32, #tpu.memory_space<vmem>>
        tpu.wait_dma2 semaphore(%run_scoped3A : memref<!tpu.dma_semaphore, #tpu.memory_space<semaphore_mem>>) src(%dma_wait3A_62 : memref<1000xi32, #tpu.memory_space<vmem>>) dst(%dma_wait3A_61 : memref<1000xi32, #tpu.memory_space<hbm>>)
        tpu.yield
      }) : () -> ()
    }
    %scan3A_37 = arith.constant 10 : i32
    %scan3A_38 = arith.constant 0 : i32
    %scan3A_39 = arith.constant 0 : i32
    %scan3A_40 = arith.constant 25 : i32
    %scan3A_41 = arith.addi %scan3A_39, %scan3A_40 : i32
    %scan3A_42 = arith.constant 1 : i32
    scf.for %scan3A_44 = %scan3A_39 to %scan3A_41 step %scan3A_42  : i32 {
      %mul3A_45 = arith.constant 32 : i32
      %mul3A_46 = arith.muli %scan3A_44, %mul3A_45 : i32
      %add3A_47 = arith.addi %add3A, %mul3A_46 : i32
      %mul3A_48 = arith.constant 200 : i32
      %mul3A_49 = arith.muli %add3A_47, %mul3A_48 : i32
      "tpu.region"() ({
        %run_scoped3A = tpu.sem_alloc : memref<!tpu.dma_semaphore, #tpu.memory_space<semaphore_mem>>
        %dma_start3A_74 = tpu.memref_slice %arg4[%mul3A_49] : memref<160000xi32, #tpu.memory_space<hbm>> -> memref<104xi32, #tpu.memory_space<hbm>>
        %dma_start3A_75 = tpu.memref_slice %arg4[%mul3A_49] : memref<160000xi32, #tpu.memory_space<hbm>> -> memref<104xi32, #tpu.memory_space<hbm>>
        tpu.enqueue_dma source(%dma_start3A_75 : memref<104xi32, #tpu.memory_space<hbm>>) target(%arg13 : memref<104xi32, #tpu.memory_space<vmem>>) target_semaphore(%run_scoped3A : memref<!tpu.dma_semaphore, #tpu.memory_space<semaphore_mem>>)
        %dma_wait3A_76 = tpu.memref_slice %arg4[%mul3A_49] : memref<160000xi32, #tpu.memory_space<hbm>> -> memref<104xi32, #tpu.memory_space<hbm>>
        %dma_wait3A_77 = tpu.memref_slice %arg4[%mul3A_49] : memref<160000xi32, #tpu.memory_space<hbm>> -> memref<104xi32, #tpu.memory_space<hbm>>
        tpu.wait_dma2 semaphore(%run_scoped3A : memref<!tpu.dma_semaphore, #tpu.memory_space<semaphore_mem>>) src(%dma_wait3A_77 : memref<104xi32, #tpu.memory_space<hbm>>) dst(%arg13 : memref<104xi32, #tpu.memory_space<vmem>>)
        tpu.yield
      }) : () -> ()
      %add3A_50 = arith.constant 104 : i32
      %add3A_51 = arith.addi %mul3A_49, %add3A_50 : i32
      "tpu.region"() ({
        %run_scoped3A = tpu.sem_alloc : memref<!tpu.dma_semaphore, #tpu.memory_space<semaphore_mem>>
        %dma_start3A_74 = tpu.memref_slice %arg4[%add3A_51] : memref<160000xi32, #tpu.memory_space<hbm>> -> memref<96xi32, #tpu.memory_space<hbm>>
        %dma_start3A_75 = tpu.memref_slice %arg4[%add3A_51] : memref<160000xi32, #tpu.memory_space<hbm>> -> memref<96xi32, #tpu.memory_space<hbm>>
        tpu.enqueue_dma source(%dma_start3A_75 : memref<96xi32, #tpu.memory_space<hbm>>) target(%arg14 : memref<96xi32, #tpu.memory_space<vmem>>) target_semaphore(%run_scoped3A : memref<!tpu.dma_semaphore, #tpu.memory_space<semaphore_mem>>)
        %dma_wait3A_76 = tpu.memref_slice %arg4[%add3A_51] : memref<160000xi32, #tpu.memory_space<hbm>> -> memref<96xi32, #tpu.memory_space<hbm>>
        %dma_wait3A_77 = tpu.memref_slice %arg4[%add3A_51] : memref<160000xi32, #tpu.memory_space<hbm>> -> memref<96xi32, #tpu.memory_space<hbm>>
        tpu.wait_dma2 semaphore(%run_scoped3A : memref<!tpu.dma_semaphore, #tpu.memory_space<semaphore_mem>>) src(%dma_wait3A_77 : memref<96xi32, #tpu.memory_space<hbm>>) dst(%arg14 : memref<96xi32, #tpu.memory_space<vmem>>)
        tpu.yield
      }) : () -> ()
      %dma_start3A = arith.constant 0 : i32
      %dma_start3A_52 = arith.constant 0 : i32
      %dma_start3A_53 = tpu.memref_slice %arg15[%dma_start3A, %dma_start3A_52] : memref<200x200xf32, #tpu.memory_space<vmem>> -> memref<104x200xf32, #tpu.memory_space<vmem>>
      %dma_start3A_54 = arith.constant 0 : i32
      %dma_start3A_55 = arith.constant 0 : i32
      %dma_start3A_56 = tpu.memref_slice %arg5[%dma_start3A_54, %dma_start3A_55] : memref<237x200xf32, #tpu.memory_space<hbm>> -> memref<237x200xf32, #tpu.memory_space<hbm>>
      tpu.enqueue_indirect_dma source(%dma_start3A_56 : memref<237x200xf32, #tpu.memory_space<hbm>>) target(%dma_start3A_53 : memref<104x200xf32, #tpu.memory_space<vmem>>) offsets(%arg13 : memref<104xi32, #tpu.memory_space<vmem>>) semaphore(%arg16 : memref<!tpu.dma_semaphore, #tpu.memory_space<semaphore_mem>>)
      %dma_wait3A = arith.constant 0 : i32
      %dma_wait3A_57 = arith.constant 0 : i32
      %dma_wait3A_58 = tpu.memref_slice %arg15[%dma_wait3A, %dma_wait3A_57] : memref<200x200xf32, #tpu.memory_space<vmem>> -> memref<104x200xf32, #tpu.memory_space<vmem>>
      %dma_wait3A_59 = arith.constant 0 : i32
      %dma_wait3A_60 = arith.constant 0 : i32
      %dma_wait3A_61 = tpu.memref_slice %arg5[%dma_wait3A_59, %dma_wait3A_60] : memref<237x200xf32, #tpu.memory_space<hbm>> -> memref<237x200xf32, #tpu.memory_space<hbm>>
      tpu.wait_indirect_dma semaphore(%arg16 : memref<!tpu.dma_semaphore, #tpu.memory_space<semaphore_mem>>) src(%dma_wait3A_61 : memref<237x200xf32, #tpu.memory_space<hbm>>) dst(%dma_wait3A_58 : memref<104x200xf32, #tpu.memory_space<vmem>>)
      %dma_start3A_62 = arith.constant 104 : i32
      %dma_start3A_63 = arith.constant 0 : i32
      %dma_start3A_64 = tpu.memref_slice %arg15[%dma_start3A_62, %dma_start3A_63] : memref<200x200xf32, #tpu.memory_space<vmem>> -> memref<96x200xf32, #tpu.memory_space<vmem>>
      %dma_start3A_65 = arith.constant 0 : i32
      %dma_start3A_66 = arith.constant 0 : i32
      %dma_start3A_67 = tpu.memref_slice %arg5[%dma_start3A_65, %dma_start3A_66] : memref<237x200xf32, #tpu.memory_space<hbm>> -> memref<237x200xf32, #tpu.memory_space<hbm>>
      tpu.enqueue_indirect_dma source(%dma_start3A_67 : memref<237x200xf32, #tpu.memory_space<hbm>>) target(%dma_start3A_64 : memref<96x200xf32, #tpu.memory_space<vmem>>) offsets(%arg14 : memref<96xi32, #tpu.memory_space<vmem>>) semaphore(%arg16 : memref<!tpu.dma_semaphore, #tpu.memory_space<semaphore_mem>>)
      %dma_wait3A_68 = arith.constant 104 : i32
      %dma_wait3A_69 = arith.constant 0 : i32
      %dma_wait3A_70 = tpu.memref_slice %arg15[%dma_wait3A_68, %dma_wait3A_69] : memref<200x200xf32, #tpu.memory_space<vmem>> -> memref<96x200xf32, #tpu.memory_space<vmem>>
      %dma_wait3A_71 = arith.constant 0 : i32
      %dma_wait3A_72 = arith.constant 0 : i32
      %dma_wait3A_73 = tpu.memref_slice %arg5[%dma_wait3A_71, %dma_wait3A_72] : memref<237x200xf32, #tpu.memory_space<hbm>> -> memref<237x200xf32, #tpu.memory_space<hbm>>
      tpu.wait_indirect_dma semaphore(%arg16 : memref<!tpu.dma_semaphore, #tpu.memory_space<semaphore_mem>>) src(%dma_wait3A_73 : memref<237x200xf32, #tpu.memory_space<hbm>>) dst(%dma_wait3A_70 : memref<96x200xf32, #tpu.memory_space<vmem>>)
      "tpu.region"() ({
        %run_scoped3A = tpu.sem_alloc : memref<!tpu.dma_semaphore, #tpu.memory_space<semaphore_mem>>
        %dma_start3A_74 = arith.constant 0 : i32
        %dma_start3A_75 = tpu.memref_slice %arg8[%mul3A_49, %dma_start3A_74] : memref<160000x200xf32, #tpu.memory_space<hbm>> -> memref<200x200xf32, #tpu.memory_space<hbm>>
        %dma_start3A_76 = arith.constant 0 : i32
        %dma_start3A_77 = tpu.memref_slice %arg8[%mul3A_49, %dma_start3A_76] : memref<160000x200xf32, #tpu.memory_space<hbm>> -> memref<200x200xf32, #tpu.memory_space<hbm>>
        tpu.enqueue_dma source(%arg15 : memref<200x200xf32, #tpu.memory_space<vmem>>) target(%dma_start3A_77 : memref<200x200xf32, #tpu.memory_space<hbm>>) target_semaphore(%run_scoped3A : memref<!tpu.dma_semaphore, #tpu.memory_space<semaphore_mem>>)
        %dma_wait3A_78 = arith.constant 0 : i32
        %dma_wait3A_79 = tpu.memref_slice %arg8[%mul3A_49, %dma_wait3A_78] : memref<160000x200xf32, #tpu.memory_space<hbm>> -> memref<200x200xf32, #tpu.memory_space<hbm>>
        %dma_wait3A_80 = arith.constant 0 : i32
        %dma_wait3A_81 = tpu.memref_slice %arg8[%mul3A_49, %dma_wait3A_80] : memref<160000x200xf32, #tpu.memory_space<hbm>> -> memref<200x200xf32, #tpu.memory_space<hbm>>
        tpu.wait_dma2 semaphore(%run_scoped3A : memref<!tpu.dma_semaphore, #tpu.memory_space<semaphore_mem>>) src(%arg15 : memref<200x200xf32, #tpu.memory_space<vmem>>) dst(%dma_wait3A_81 : memref<200x200xf32, #tpu.memory_space<hbm>>)
        tpu.yield
      }) : () -> ()
    }
    %scan3A_43 = arith.constant 25 : i32
    return
  }
}

module attributes {stable_mosaic.version = 14 : i64} {
  func.func @_tc_h_body(%arg0: i32, %arg1: memref<1x32x1000xi32, #tpu.memory_space<vmem>>, %arg2: memref<1000x128xf32, #tpu.memory_space<vmem>>, %arg3: memref<1000x128xf32, #tpu.memory_space<vmem>>) attributes {dimension_semantics = [#tpu.dimension_semantics<arbitrary>], iteration_bounds = array<i64: 20>, scalar_prefetch = 0 : i64, scratch_operands = 0 : i64, tpu.core_type = #tpu.core_type<tc>, window_params = [{transform_indices = @transform_0, window_bounds = array<i64: 1, 32, 1000>}, {transform_indices = @transform_1, window_bounds = array<i64: 1000, 128>}, {transform_indices = @transform_2, window_bounds = array<i64: 1000, 128>}]} {
    %get3A = arith.constant 0 : index
    %get3A_0 = arith.constant 0 : index
    %get3A_1 = arith.constant 0 : index
    %get3A_2 = vector.load %arg1[%get3A, %get3A_0, %get3A_1] : memref<1x32x1000xi32, #tpu.memory_space<vmem>>, vector<1x32x1000xi32>
    %get3A_3 = vector.shape_cast %get3A_2 : vector<1x32x1000xi32> to vector<32x1000xi32>
    %reduce_sum3A = arith.constant dense<0> : vector<1000xi32>
    %reduce_sum3A_4 = vector.multi_reduction <add>, %get3A_3, %reduce_sum3A [0] : vector<32x1000xi32> to vector<1000xi32>
    %convert_element_type3A = arith.sitofp %reduce_sum3A_4 : vector<1000xi32> to vector<1000xf32>
    %max3A = arith.constant 1.000000e+00 : f32
    %max3A_5 = vector.broadcast %max3A : f32 to vector<1000xf32>
    %max3A_6 = arith.maximumf %convert_element_type3A, %max3A_5 : vector<1000xf32>
    %rsqrt3A = math.rsqrt %max3A_6 : vector<1000xf32>
    %get3A_7 = arith.constant 0 : index
    %get3A_8 = arith.constant 0 : index
    %get3A_9 = vector.load %arg2[%get3A_7, %get3A_8] : memref<1000x128xf32, #tpu.memory_space<vmem>>, vector<1000x128xf32>
    %broadcast_in_dim3A = vector.shape_cast %rsqrt3A : vector<1000xf32> to vector<1000x1xf32>
    %mul3A = vector.broadcast %broadcast_in_dim3A : vector<1000x1xf32> to vector<1000x128xf32>
    %mul3A_10 = arith.mulf %get3A_9, %mul3A : vector<1000x128xf32>
    %swap3A = arith.constant 0 : index
    %swap3A_11 = arith.constant 0 : index
    %swap3A_12 = vector.load %arg3[%swap3A, %swap3A_11] : memref<1000x128xf32, #tpu.memory_space<vmem>>, vector<1000x128xf32>
    tpu.vector_store %arg3[%swap3A, %swap3A_11], %mul3A_10 {strides = array<i32>} : memref<1000x128xf32, #tpu.memory_space<vmem>>, vector<1000x128xf32>,
    return
  }
  func.func @transform_0(%arg0: i32) -> (i32, i32, i32) {
    %jit3A = arith.constant 10 : i32
    %eq3A = arith.constant 0 : i32
    %eq3A_0 = arith.cmpi eq, %jit3A, %eq3A : i32
    %jit3A_1 = arith.constant 1 : i32
    %select_n3A = arith.select %eq3A_0, %jit3A_1, %jit3A : i32
    %rem3A = arith.remsi %arg0, %select_n3A : i32
    %ne3A = arith.constant 0 : i32
    %ne3A_2 = arith.cmpi ne, %rem3A, %ne3A : i32
    %lt3A = arith.constant 0 : i32
    %lt3A_3 = arith.cmpi slt, %rem3A, %lt3A : i32
    %lt3A_4 = arith.constant 0 : i32
    %lt3A_5 = arith.cmpi slt, %select_n3A, %lt3A_4 : i32
    %ne3A_6 = arith.xori %lt3A_3, %lt3A_5 : i1
    %and3A = arith.andi %ne3A_6, %ne3A_2 : i1
    %add3A = arith.addi %rem3A, %select_n3A : i32
    %select_n3A_7 = arith.select %and3A, %add3A, %rem3A : i32
    %c0_i32 = arith.constant 0 : i32
    %c0_i32_8 = arith.constant 0 : i32
    %c0_i32_9 = arith.constant 0 : i32
    return %select_n3A_7, %c0_i32, %c0_i32_8 : i32, i32, i32
  }
  func.func @transform_1(%arg0: i32) -> (i32, i32) {
    %c0_i32 = arith.constant 0 : i32
    %c0_i32_0 = arith.constant 0 : i32
    return %arg0, %c0_i32 : i32, i32
  }
  func.func @transform_2(%arg0: i32) -> (i32, i32) {
    %c0_i32 = arith.constant 0 : i32
    %c0_i32_0 = arith.constant 0 : i32
    return %arg0, %c0_i32 : i32, i32
  }
}

module attributes {stable_mosaic.version = 14 : i64} {
  func.func @_tc_out_body(%arg0: i32, %arg1: memref<2x1000x128xf32, #tpu.memory_space<vmem>>, %arg2: memref<1x32x1000xi32, #tpu.memory_space<vmem>>, %arg3: memref<2x128x200xf32, #tpu.memory_space<vmem>>, %arg4: memref<1x200xf32, #tpu.memory_space<vmem>>, %arg5: memref<1000x200xf32, #tpu.memory_space<vmem>>) attributes {dimension_semantics = [#tpu.dimension_semantics<arbitrary>], iteration_bounds = array<i64: 10>, scalar_prefetch = 0 : i64, scratch_operands = 0 : i64, tpu.core_type = #tpu.core_type<tc>, window_params = [{transform_indices = @transform_0, window_bounds = array<i64: 2, 1000, 128>}, {transform_indices = @transform_1, window_bounds = array<i64: 1, 32, 1000>}, {pipeline_mode = #tpu.pipeline_mode<synchronous>, transform_indices = @transform_2, window_bounds = array<i64: 2, 128, 200>}, {pipeline_mode = #tpu.pipeline_mode<synchronous>, transform_indices = @transform_3, window_bounds = array<i64: 1, 200>}, {transform_indices = @transform_4, window_bounds = array<i64: 1000, 200>}]} {
    %get3A = arith.constant 0 : index
    %get3A_0 = arith.constant 0 : index
    %get3A_1 = arith.constant 0 : index
    %get3A_2 = vector.load %arg2[%get3A, %get3A_0, %get3A_1] : memref<1x32x1000xi32, #tpu.memory_space<vmem>>, vector<1x32x1000xi32>
    %get3A_3 = vector.shape_cast %get3A_2 : vector<1x32x1000xi32> to vector<32x1000xi32>
    %reduce_sum3A = arith.constant dense<0> : vector<1000xi32>
    %reduce_sum3A_4 = vector.multi_reduction <add>, %get3A_3, %reduce_sum3A [0] : vector<32x1000xi32> to vector<1000xi32>
    %convert_element_type3A = arith.sitofp %reduce_sum3A_4 : vector<1000xi32> to vector<1000xf32>
    %max3A = arith.constant 1.000000e+00 : f32
    %max3A_5 = vector.broadcast %max3A : f32 to vector<1000xf32>
    %max3A_6 = arith.maximumf %convert_element_type3A, %max3A_5 : vector<1000xf32>
    %rsqrt3A = math.rsqrt %max3A_6 : vector<1000xf32>
    %broadcast_in_dim3A = vector.shape_cast %rsqrt3A : vector<1000xf32> to vector<1000x1xf32>
    %get3A_7 = arith.constant 0 : index
    %get3A_8 = arith.constant 0 : index
    %get3A_9 = arith.constant 0 : index
    %get3A_10 = vector.load %arg1[%get3A_7, %get3A_8, %get3A_9] : memref<2x1000x128xf32, #tpu.memory_space<vmem>>, vector<1x1000x128xf32>
    %get3A_11 = vector.shape_cast %get3A_10 : vector<1x1000x128xf32> to vector<1000x128xf32>
    %mul3A = vector.broadcast %broadcast_in_dim3A : vector<1000x1xf32> to vector<1000x128xf32>
    %mul3A_12 = arith.mulf %get3A_11, %mul3A : vector<1000x128xf32>
    %get3A_13 = arith.constant 0 : index
    %get3A_14 = arith.constant 0 : index
    %get3A_15 = arith.constant 0 : index
    %get3A_16 = vector.load %arg3[%get3A_13, %get3A_14, %get3A_15] : memref<2x128x200xf32, #tpu.memory_space<vmem>>, vector<1x128x200xf32>
    %get3A_17 = vector.shape_cast %get3A_16 : vector<1x128x200xf32> to vector<128x200xf32>
    %dot_general3A = arith.constant dense<0.000000e+00> : vector<1000x200xf32>
    %dot_general3A_18 = tpu.matmul %mul3A_12, %get3A_17, %dot_general3A {dimension_numbers = #tpu.dot_dimension_numbers<[1], [0], [0], [1], [0, 0, 1, 1], [], []>, transpose_lhs_hint = false} : vector<1000x128xf32>, vector<128x200xf32>, vector<1000x200xf32> -> vector<1000x200xf32>
    %get3A_19 = arith.constant 1 : index
    %get3A_20 = arith.constant 0 : index
    %get3A_21 = arith.constant 0 : index
    %get3A_22 = vector.load %arg1[%get3A_19, %get3A_20, %get3A_21] : memref<2x1000x128xf32, #tpu.memory_space<vmem>>, vector<1x1000x128xf32>
    %get3A_23 = vector.shape_cast %get3A_22 : vector<1x1000x128xf32> to vector<1000x128xf32>
    %mul3A_24 = vector.broadcast %broadcast_in_dim3A : vector<1000x1xf32> to vector<1000x128xf32>
    %mul3A_25 = arith.mulf %get3A_23, %mul3A_24 : vector<1000x128xf32>
    %get3A_26 = arith.constant 1 : index
    %get3A_27 = arith.constant 0 : index
    %get3A_28 = arith.constant 0 : index
    %get3A_29 = vector.load %arg3[%get3A_26, %get3A_27, %get3A_28] : memref<2x128x200xf32, #tpu.memory_space<vmem>>, vector<1x128x200xf32>
    %get3A_30 = vector.shape_cast %get3A_29 : vector<1x128x200xf32> to vector<128x200xf32>
    %dot_general3A_31 = arith.constant dense<0.000000e+00> : vector<1000x200xf32>
    %dot_general3A_32 = tpu.matmul %mul3A_25, %get3A_30, %dot_general3A_31 {dimension_numbers = #tpu.dot_dimension_numbers<[1], [0], [0], [1], [0, 0, 1, 1], [], []>, transpose_lhs_hint = false} : vector<1000x128xf32>, vector<128x200xf32>, vector<1000x200xf32> -> vector<1000x200xf32>
    %add3A = arith.addf %dot_general3A_18, %dot_general3A_32 : vector<1000x200xf32>
    %get3A_33 = arith.constant 0 : index
    %get3A_34 = arith.constant 0 : index
    %get3A_35 = vector.load %arg4[%get3A_33, %get3A_34] : memref<1x200xf32, #tpu.memory_space<vmem>>, vector<1x200xf32>
    %add3A_36 = vector.broadcast %get3A_35 : vector<1x200xf32> to vector<1000x200xf32>
    %add3A_37 = arith.addf %add3A, %add3A_36 : vector<1000x200xf32>
    %swap3A = arith.constant 0 : index
    %swap3A_38 = arith.constant 0 : index
    %swap3A_39 = vector.load %arg5[%swap3A, %swap3A_38] : memref<1000x200xf32, #tpu.memory_space<vmem>>, vector<1000x200xf32>
    tpu.vector_store %arg5[%swap3A, %swap3A_38], %add3A_37 {strides = array<i32>} : memref<1000x200xf32, #tpu.memory_space<vmem>>, vector<1000x200xf32>,
    return
  }
  func.func @transform_0(%arg0: i32) -> (i32, i32, i32) {
    %c0_i32 = arith.constant 0 : i32
    %c0_i32_0 = arith.constant 0 : i32
    %c0_i32_1 = arith.constant 0 : i32
    return %c0_i32, %arg0, %c0_i32_0 : i32, i32, i32
  }
  func.func @transform_1(%arg0: i32) -> (i32, i32, i32) {
    %c0_i32 = arith.constant 0 : i32
    %c0_i32_0 = arith.constant 0 : i32
    %c0_i32_1 = arith.constant 0 : i32
    return %arg0, %c0_i32, %c0_i32_0 : i32, i32, i32
  }
  func.func @transform_2(%arg0: i32) -> (i32, i32, i32) {
    %c0_i32 = arith.constant 0 : i32
    %c0_i32_0 = arith.constant 0 : i32
    %c0_i32_1 = arith.constant 0 : i32
    %c0_i32_2 = arith.constant 0 : i32
    return %c0_i32, %c0_i32_0, %c0_i32_1 : i32, i32, i32
  }
  func.func @transform_3(%arg0: i32) -> (i32, i32) {
    %c0_i32 = arith.constant 0 : i32
    %c0_i32_0 = arith.constant 0 : i32
    %c0_i32_1 = arith.constant 0 : i32
    return %c0_i32, %c0_i32_0 : i32, i32
  }
  func.func @transform_4(%arg0: i32) -> (i32, i32) {
    %c0_i32 = arith.constant 0 : i32
    %c0_i32_0 = arith.constant 0 : i32
    return %arg0, %c0_i32 : i32, i32
  }
}

</mosaic_0001>

<sc_bundles>
// kernel: kernel.6.cloned.1.call-start
scs
__scs_entry_jumppad:
0x0: {  	(pc) =	sbr.rel $0x88, $3  }
0x1: {  	(tag) =	ssettag $0x0;
	lr =	simm.s32 $0x1  }
0x2: {  	[smem:$0x3F9B] =	sst lr;
	_ =	strace $0xD0000000  }
0x3: {  	_ = 	snop  }
0x4: {  	_ = 	snop  }
0x5: {  	_ = 	snop  }
0x6: {  	_ = 	snop  }
0x7: {  	_ = 	snop  }
__scs_overlays_trampoline_lowered:
0x8: {  	[smem:$0x3FAA] =	sst s0  }
0x9: {  	[smem:$0x3FAB] =	sst s1  }
0xa: {  	[smem:$0x3FAC] =	sst s2  }
0xb: {  	[smem:$0x3FAD] =	sst s3  }
0xc: {  	[smem:$0x3FAE] =	sst s4  }
0xd: {  	[smem:$0x3FAF] =	sst s5  }
0xe: {  	[smem:$0x3FB0] =	sst s6  }
0xf: {  	[smem:$0x3FB1] =	sst s7  }
0x10: {  	[smem:$0x3FB2] =	sst s8  }
0x11: {  	[smem:$0x3FB3] =	sst s9;
	s0 =	simm.s32 @!p0 $0x0  }
0x12: {  	s1 =	sld [smem:$0x3F99];
	s0 =	simm.s32 @p0 $0x1  }
0x13: {  	[smem:$0x3FB4] =	sst s0;
	s0 =	simm.s32 @!p1 $0x0  }
0x14: {  	s2 =	sld [smem:$0x3F98];
	s0 =	simm.s32 @p1 $0x1  }
0x15: {  	[smem:$0x3FB5] =	sst s0;
	s0 =	simm.s32 @!p2 $0x0  }
0x16: {  	s3 =	sld [smem:$0x3FDB];
	s0 =	simm.s32 @p2 $0x1  }
0x17: {  	s4 =	simm.s32 $0x1BF5;
	[smem:$0x3FB7] =	sst s0  }
0x18: {  	s0 =	sld [smem:$0x3F9A];
	_ =	swait.ge [sflag:s4], $0x0  }
0x19: {  	s7 =	sld [smem:$0x3F9B]  }
0x1a: {  	s8 =	sadd.s32 $0xFFFFE003, lr  }
0x1b: {  	s9 =	sadd.s32 $0xFFFFFEF7, lr;
	s5 =	simm.s32 $0xFFFFFFFF;
	p2 =	slt.u32 s8, $0xFFFFF086  }
0x1c: {  	p1 =	slt.u32 s9, $0xF7A;
	s5 =	simm.s32 @!p2 $0x0  }
0x1d: {  	s5 =	simm.s32 @p1 $0x1;
	p0 =	seq.s32 s7, s2  }
0x1e: {  	s7 =	smul.u32 @!p0 $0xF7A, s2;
	p2 =	seq.s32 @!p0 s5, $0x0  }
0x1f: {  	s9 =	smul.u32 $0xF7A, s1;
	s8 =	simm.s32 @!p0 $0x1BF5;
	p2 =	por !p2, p0  }
0x20: {  	[sflag:s8] =	ssyncset.s32 @!p0 $0xFFFFF086;
	s6 =	sadd.s32 @!p0 s3, s7;
	s7 =	simm.s32 @!p0 $0x108  }
0x21: {  	s3 =	sadd.s32 s3, s9;
	s6 =	sadd.s32 @!p0 $0x88, s6;
	s7 =	simm.s32 @p2 $0x1082  }
0x22: {  	[simem:s7], [sflag:s8] =	dma.local @!p0 [hbm:s6], $0xF7A  }
0x23: {  	s9 =	sor.u32 $0xD0000000, s2;
	s6 =	simm.s32 $0x108;
	_ =	swait.ge @!p0 [sflag:s8], $0x0  }
0x24: {  	s3 =	sadd.s32 $0x88, s3;
	s6 =	simm.s32 @!p1 $0x1082;
	[sflag:s4] =	ssyncset.s32 $0xFFFFF086  }
0x25: {  	[simem:s6], [sflag:s4] =	dma.local [hbm:s3], $0xF7A  }
0x26: {  	[smem:$0x3F9B] =	sst s1;
	(tag) =	ssettag s2;
	_ =	strace s9  }
0x27: {  	s1 =	sld [smem:$0x3FAB]  }
0x28: {  	s2 =	sld [smem:$0x3FAC]  }
0x29: {  	s4 =	sld [smem:$0x3FAE]  }
0x2a: {  	p0 =	seq.s32 s5, $0x0;
	s5 =	sld [smem:$0x3FAF]  }
0x2b: {  	s6 =	sld [smem:$0x3FB0]  }
0x2c: {  	s7 =	sld [smem:$0x3FB1]  }
0x2d: {  	s3 =	simm.s32 $0x108;
	s8 =	sld [smem:$0x3FB2]  }
0x2e: {  	s3 =	simm.s32 @!p0 $0x1082;
	s9 =	sld [smem:$0x3FB3]  }
0x2f: {  	lr =	sadd.s32 s0, s3;
	s0 =	sld [smem:$0x3FAA]  }
0x30: {  	s3 =	sld [smem:$0x3FAD]  }
0x31: {  	[smem:$0x3FB6] =	sst s10  }
0x32: {  	s10 =	sld [smem:$0x3FB4];
	_ =	sdelay $0x3  }
0x33: {  	p0 =	seq.s32 s10, $0x1;
	s10 =	sld [smem:$0x3FB6];
	_ =	sdelay $0x3  }
0x34: {  	[smem:$0x3FB6] =	sst s10  }
0x35: {  	s10 =	sld [smem:$0x3FB5];
	_ =	sdelay $0x3  }
0x36: {  	p1 =	seq.s32 s10, $0x1;
	s10 =	sld [smem:$0x3FB6];
	_ =	sdelay $0x3  }
0x37: {  	[smem:$0x3FB6] =	sst s10  }
0x38: {  	s10 =	sld [smem:$0x3FB7]  }
0x39: {  	_ = 	snop;
	(pc) =	sbr.ind lr, $3  }
0x3a: {  	_ = 	snop  }
0x3b: {  	_ = 	snop  }
0x3c: {  	p2 =	seq.s32 s10, $0x1;
	s10 =	sld [smem:$0x3FB6]  }
0x3d: {  	_ =	shalt  }
0x3e: {  	_ =	shalt  }
0x3f: {  	_ =	shalt  }
0x40: {  	_ =	shalt  }
0x41: {  	_ =	shalt  }
0x42: {  	_ =	shalt  }
0x43: {  	_ =	shalt  }
0x44: {  	_ =	shalt  }
0x45: {  	_ =	shalt  }
0x46: {  	_ =	shalt  }
0x47: {  	_ =	shalt  }
0x48: {  	_ =	shalt  }
0x49: {  	_ =	shalt  }
0x4a: {  	_ =	shalt  }
0x4b: {  	_ =	shalt  }
0x4c: {  	_ =	shalt  }
0x4d: {  	_ =	shalt  }
0x4e: {  	_ =	shalt  }
0x4f: {  	_ =	shalt  }
0x50: {  	_ =	shalt  }
0x51: {  	_ =	shalt  }
0x52: {  	_ =	shalt  }
0x53: {  	_ =	shalt  }
0x54: {  	_ =	shalt  }
0x55: {  	_ =	shalt  }
0x56: {  	_ =	shalt  }
0x57: {  	_ =	shalt  }
0x58: {  	_ =	shalt  }
0x59: {  	_ =	shalt  }
0x5a: {  	_ =	shalt  }
0x5b: {  	_ =	shalt  }
0x5c: {  	_ =	shalt  }
0x5d: {  	_ =	shalt  }
0x5e: {  	_ =	shalt  }
0x5f: {  	_ =	shalt  }
0x60: {  	_ =	shalt  }
0x61: {  	_ =	shalt  }
0x62: {  	_ =	shalt  }
0x63: {  	_ =	shalt  }
0x64: {  	_ =	shalt  }
0x65: {  	_ =	shalt  }
0x66: {  	_ =	shalt  }
0x67: {  	_ =	shalt  }
0x68: {  	_ =	shalt  }
0x69: {  	_ =	shalt  }
0x6a: {  	_ =	shalt  }
0x6b: {  	_ =	shalt  }
0x6c: {  	_ =	shalt  }
0x6d: {  	_ =	shalt  }
0x6e: {  	_ =	shalt  }
0x6f: {  	_ =	shalt  }
0x70: {  	_ =	shalt  }
0x71: {  	_ =	shalt  }
0x72: {  	_ =	shalt  }
0x73: {  	_ =	shalt  }
0x74: {  	_ =	shalt  }
0x75: {  	_ =	shalt  }
0x76: {  	_ =	shalt  }
0x77: {  	_ =	shalt  }
0x78: {  	_ =	shalt  }
0x79: {  	_ =	shalt  }
0x7a: {  	_ =	shalt  }
0x7b: {  	_ =	shalt  }
0x7c: {  	_ =	shalt  }
0x7d: {  	_ =	shalt  }
0x7e: {  	_ =	shalt  }
0x7f: {  	_ =	shalt  }
0x80: {  	_ =	shalt  }
0x81: {  	_ =	shalt  }
0x82: {  	_ =	shalt  }
0x83: {  	_ =	shalt  }
0x84: {  	_ =	shalt  }
0x85: {  	_ =	shalt  }
0x86: {  	_ =	shalt  }
0x87: {  	_ =	shalt  }
.Lfunc_end0:
.L_simem_size_0:
called_computation.1_lowered:
.L_overlay_start_0:
0x88: {  	s2 =	sld [smem:$0x3FD9]  }
0x89: {  	s3 =	sld [smem:$0x3FFE];
	_ =	sdelay $0x1  }
0x8a: {  	s1 =	srdreg.scid  }
0x8b: {  	s0 =	sand.u32 $0x1, s1  }
0x8c: {  	s14 =	sshll.u32 s0, $0xA;
	s2 =	sadd.s32 s3, s2  }
0x8d: {  	s2 =	sadd.s32 s2, s14  }
0x8e: {  	[smem:$0x3FC2] =	sst s2  }
0x8f: {  	_ = 	snop  }
0x90: {  	s2 =	sld [smem:$0x3FD0];
	_ =	sdelay $0x2  }
0x91: {  	s4 =	simm.s32 $0xB;
	s5 =	simm.s32 $0x10;
	s15 =	sld [smem:$0x3FC8]  }
0x92: {  	[smem:s5], [sflag:s4] =	dma.local [hbm:s2], $0x1  }
0x93: {  	_ =	swait.eq [sflag:s4], $0x1  }
0x94: {  	[sflag:s4] =	ssyncset.done $0x0  }
0x95: {  	[sflag:s4] =	ssyncadd.s32 $0xFFFFFFFF  }
0x96: {  	s16 =	sld [smem:$0x11];
	(tm) =	ssettm $0x1  }
0x97: {  	s17 =	sld [smem:$0x3FFB];
	_ =	sdelay $0x3  }
0x98: {  	_ =	strace s17  }
0x99: {  	s4 =	sld [smem:$0x3FFC];
	_ =	sdelay $0x3  }
0x9a: {  	_ =	strace s4  }
0x9b: {  	s4 =	sld [smem:$0x3FFD];
	_ =	sdelay $0x3  }
0x9c: {  	_ =	strace s4  }
0x9d: {  	_ =	strace $0x8FFFFFFF  }
0x9e: {  	s18 =	sld [smem:$0x3FDB];
	_ =	sdelay $0x1  }
0x9f: {  	s19 =	simm.s32 $_scs_section_size  }
0xa0: {  	s6 =	simm.s32 $_size__tile_overlayer_lowered;
	s7 =	simm.s32 $_tile_overlayer_lowered  }
0xa1: {  	s22 =	simm.s32 $0x1BFF;
	s21 =	sshll.u32 s7, $0x1;
	s4 =	sadd.s32 s19, s18  }
0xa2: {  	s8 =	simm.s32 $0x0;
	s20 =	sshll.u32 s6, $0x1;
	s6 =	sadd.s32 s21, s4  }
0xa3: {  	[timem:s8], [sflag:s22] =	dma.local [hbm:s6], s20  }
0xa4: {  	_ =	swait.ge [sflag:s22], s20  }
0xa5: {  	s5 =	ssub.s32 $0x0, s20;
	[sflag:s22] =	ssyncset.done $0x0  }
0xa6: {  	[sflag:s22] =	ssyncadd.s32 s5;
	_ =	sdelay $0x1  }
0xa7: {  	s23 =	simm.s32 $0x1B8B  }
0xa8: {  	_ =	swait.ge [sflag:s23], $0x1  }
0xa9: {  	[sflag:s23] =	ssyncset.done $0x0  }
0xaa: {  	s25 =	simm.s32 $0x1B8E;
	s24 =	sld [smem:$0x3FFE];
	[sflag:s23] =	ssyncadd.s32 $0xFFFFFFFF  }
0xab: {  	s26 =	simm.s32 $execute0_lowered;
	[smem:$0x3FD2] =	sst s25  }
0xac: {  	s6 =	sshll.u32 s26, $0x1;
	_ =	strace $0x80000046;
	[dreg:$0x1] =	wrdreg $0xFFFFFFFF  }
0xad: {  	s28 =	simm.s32 $_size_execute0_lowered;
	s4 =	sadd.s32 s4, s6;
	[dreg:$0x0] =	wrdreg $0x0  }
0xae: {  	s6 =	sshll.u32 s28, $0x1;
	[dreg:$0x2] =	wrdreg s4  }
0xaf: {  	[dreg:$0x3] =	wrdreg s6  }
0xb0: {  	[dreg:$0x4] =	wrdreg $0xC0  }
0xb1: {  	_ =	task [dreg:s8], $0x5FFFF  }
0xb2: {  	[dreg:$0x1] =	wrdreg $0xFFFFFFFF  }
0xb3: {  	[dreg:$0x0] =	wrdreg $0x60  }
0xb4: {  	[dreg:$0x2] =	wrdreg s24  }
0xb5: {  	[dreg:$0x3] =	wrdreg s15  }
0xb6: {  	[dreg:$0x4] =	wrdreg s16  }
0xb7: {  	[dreg:$0x5] =	wrdreg $0x9  }
0xb8: {  	_ =	task.clear_ibuf [dreg:s8], $0x6FFFF;
	_ =	strace $0x90000046  }
0xb9: {  	s29 =	simm.s32 $0x9;
	_ =	strace $0x80000048  }
0xba: {  	_ =	swait.ge [sflag:s29], $0x1  }
0xbb: {  	[sflag:s29] =	ssyncadd.s32 $0xFFFFFFFF  }
0xbc: {  	_ =	strace $0x90000048  }
0xbd: {  	_ =	sfence  }
0xbe: {  	s30 =	sld [smem:$0x0];
	_ =	sdelay $0x2  }
0xbf: {  	s31 =	sshll.u32 s1, $0xD;
	s1 =	sshrl.u32 s1, $0x2  }
0xc0: {  	s3 =	sand.u32 $0x4000, s31;
	s1 =	sadd.s32 s1, s30  }
0xc1: {  	s0 =	sor.u32 s3, s0;
	s1 =	sshll.u32 s1, $0x11  }
0xc2: {  	s0 =	sor.u32 s1, s0  }
0xc3: {  	s0 =	sadd.s32 $0x8F2B, s0  }
0xc4: {  	[sflag:s0] =	ssyncadd.remote.s32 $0x1  }
0xc5: {  	_ =	sfence.sel $0xFFFF  }
0xc6: {  	[dreg:$0x0] =	wrdreg $0xFFFFFFFF;
	(pc) =	sbr.abs _section_cstart, $3  }
0xc7: {  	[dreg:$0x1] =	wrdreg $0xFFFFFFFF  }
0xc8: {  	_ =	task.clear_ibuf [dreg:s8], $0x2FFFF;
	_ =	strace $0x9FFFFFFF  }
0xc9: {  	(tm) =	ssettm $0x7FFFFFFF  }
tec
execute0_lowered:
.L_overlay_start_1:
0x0: {  	(tag) =	ssettag $0x1  }
0x1: {  	s10 =	stileid.u32;
	s0 =	srdreg.scid  }
0x2: {  	s0 =	sand.u32 $0x1, s0;
	s1 =	sshll.u32 s10, $0x1  }
0x3: {  	s1 =	sor.u32 s0, s1  }
0x4: {  	s1 =	smul.u32 $0x3E8, s1  }
0x5: {  	s3 =	rddreg [dreg:$0x0];
	s2 =	smul.u32 $0x32, s10;
	s4 =	ssub.s32 $0x2, s0  }
0x6: {  	s5 =	sadd.s32 $0xCE00, s3;
	s6 =	sshrl.u32 s4, $0x1;
	s1 =	sshrl.u32 s1, $0x3  }
0x7: {  	s7 =	sadd.s32 $0x16C00, s3;
	s4 =	ssub.s32 s4, s6;
	s8 =	sadd.s32 s5, s1  }
0x8: {  	s12 =	sadd.s32 $0xFA0, s1;
	s13 =	sadd.s32 s7, s1;
	[dreg:$0x4] =	wrdreg s8  }
0x9: {  	s16 =	sadd.s32 $0x2EE0, s1;
	s25 =	sadd.s32 $0x6D60, s1;
	[dreg:$0x5] =	wrdreg s13  }
0xa: {  	s14 =	sadd.s32 s5, s12;
	s17 =	sadd.s32 s5, s16;
	s18 =	sadd.s32 s7, s16  }
0xb: {  	s11 =	sadd.s32 s5, s25;
	s16 =	sadd.s32 s7, s25;
	s25 =	rddreg [dreg:$0x2]  }
0xc: {  	s15 =	sadd.s32 $0x1F40, s1;
	s6 =	sadd.s32 s7, s12;
	[dreg:$0x6] =	wrdreg s14  }
0xd: {  	s31 =	simm.s32 $0x2;
	s9 =	sadd.s32 s5, s15;
	[dreg:$0x7] =	wrdreg s6  }
0xe: {  	s2 =	sadd.s32 s2, s3;
	s28 =	smax.u32 s4, $0x1;
	[dreg:$0x8] =	wrdreg s9  }
0xf: {  	s4 =	simm.s32 $0x7618;
	s19 =	sadd.s32 $0x3E80, s1;
	[dreg:$0xa] =	wrdreg s17  }
0x10: {  	s20 =	sadd.s32 $0x4E20, s1;
	s21 =	sadd.s32 s5, s19;
	[dreg:$0xb] =	wrdreg s18  }
0x11: {  	s24 =	sadd.s32 $0x5DC0, s1;
	s22 =	sadd.s32 s5, s20;
	[dreg:$0xc] =	wrdreg s21  }
0x12: {  	s23 =	sadd.s32 s7, s20;
	s26 =	sadd.s32 s5, s24;
	[dreg:$0xe] =	wrdreg s22  }
0x13: {  	s12 =	sadd.s32 $0x7D00, s1;
	s13 =	smul.u32 $0x19, s0;
	[dreg:$0xf] =	wrdreg s23  }
0x14: {  	s1 =	sadd.s32 $0x8CA0, s1;
	s8 =	simm.s32 $0x0;
	[dreg:$0x10] =	wrdreg s26  }
0x15: {  	s6 =	sadd.s32 s7, s15;
	[dreg:$0x12] =	wrdreg s11;
	s14 =	smul.u32 $0x2710, s10  }
0x16: {  	s17 =	sadd.s32 s5, s12;
	s18 =	sadd.s32 s7, s12;
	s15 =	smul.u32 $0x190, s10  }
0x17: {  	s20 =	sadd.s32 s7, s1;
	s21 =	simm.s32 $0x0;
	s26 =	rddreg [dreg:$0x1]  }
0x18: {  	[dreg:$0x9] =	wrdreg s6;
	s6 =	sadd.s32 s7, s19;
	s19 =	sadd.s32 s5, s1  }
0x19: {  	s22 =	sadd.s32 s13, s2;
	[smem:$0x7FF] =	sst s21;
	s1 =	simm.s32 $0x7550  }
0x1a: {  	[dreg:$0xd] =	wrdreg s6;
	s6 =	sadd.s32 s7, s24;
	s24 =	smul.u32 $0xC8, s0  }
0x1b: {  	s0 =	smul.u32 $0x1388, s0;
	s29 =	sadd.s32 $0x2E00, s22;
	s30 =	sadd.s32 $0x7E00, s22  }
0x1c: {  	s22 =	simm.s32 $0x2730;
	[dreg:$0x11] =	wrdreg s6;
	s6 =	sadd.s32 s14, s25  }
0x1d: {  	s7 =	simm.s32 $0xC758;
	s2 =	sadd.s32 s24, s15;
	s23 =	sadd.s32 s0, s6  }
0x1e: {  	_ =	strace $0x80000047;
	s0 =	simm.s32 $0x4E40;
	s5 =	sadd.s32 $0x68, s2  }
0x1f: {  	s6 =	simm.s32 $0x60;
	s2 =	sshrl.u32 s2, $0x3;
	s5 =	sshrl.u32 s5, $0x3  }
0x20: {  	s24 =	sadd.s32 s2, s26;
	s2 =	simm.s32 $0x75B8;
	s25 =	sadd.s32 s5, s26  }
0x21: {  	v0 =	vimm.s32 $0x0;
	s26 =	sadd.s32 $0x1600, s3;
	s3 =	simm.s32 $0x68;
	s5 =	simm.s32 $0x1  }
.LBB2_1:
0x22: {  	s9 =	simm.s32 $0x40;
	s10 =	simm.s32 $0x0  }
.LBB2_2:
0x23: {  	p0 =	sne.s32 s9, $0x9C00;
	[tilespmem:s10+$0x2730] =	vst v0;
	s11 =	smov.u32 s9;
	s9 =	sadd.s32 $0x40, s9  }
.Ltmp0:
0x24: {  	[tilespmem:s10+$0x4E40] =	vst v0;
	(pc) =	sbr.rel @p0 .LBB2_2-.Ltmp0, $2  }
0x25: {  	_ =	sdelay $0x2  }
0x26: {  	s10 =	sshra.s32 s11, $0x2  }
0x27: {  	[tilespmem:s10+$0x2730] =	vst v0  }
0x28: {  	[tilespmem:s10+$0x4E40] =	vst v0  }
0x29: {  	[tilespmem:$0x1380] =	vst v0  }
0x2a: {  	s9 =	simm.s32 $0x0;
	s13 =	simm.s32 $0x0;
	s11 =	sadd.s32 $0x0, s29;
	[tilespmem:$0x2718] =	vst v0  }
0x2b: {  	[tilespmem:s13], [sflag:$0x2] =	stream.linear.gather [hbm4b:s11+s9], $0xC8, $0x38;
	[tilespmem:$0x11258] =	vst v63  }
0x2c: {  	_ =	swait.ge [sflag:s31], $0xC8  }
0x2d: {  	[sflag:s31] =	ssyncset.done $0x0  }
0x2e: {  	s14 =	simm.s32 $0x1398;
	s15 =	sadd.s32 $0x0, s30;
	[sflag:s31] =	ssyncadd.s32 $0xFFFFFF38  }
0x2f: {  	[tilespmem:s14], [sflag:$0x2] =	stream.linear.gather [hbm4b:s15+s9], $0xC8, $0x38;
	[tilespmem:$0x11258] =	vst v63  }
0x30: {  	s10 =	simm.s32 $0x320;
	_ =	swait.ge [sflag:s31], $0xC8  }
0x31: {  	s12 =	simm.s32 $0x640;
	s11 =	simm.s32 $0xC8;
	[sflag:s31] =	ssyncset.done $0x0  }
.LBB2_4:
0x32: {  	s13 =	sshra.s32 s12, $0x2  }
0x33: {  	s14 =	sadd.s32 s10, s29;
	[sflag:s31] =	ssyncadd.s32 $0xFFFFFF38;
	s15 =	smov.u32 s12  }
0x34: {  	[tilespmem:s11], [sflag:$0x2] =	stream.linear.gather [hbm4b:s14+s9], $0xC8, $0x38;
	[tilespmem:$0x11258] =	vst v63  }
0x35: {  	p0 =	sne.s32 s12, $0x4B00;
	s12 =	sadd.s32 $0x320, s12;
	_ =	swait.ge [sflag:s31], $0xC8  }
.Ltmp1:
0x36: {  	[sflag:s31] =	ssyncset.done $0x0;
	(pc) =	sbr.rel @p0 .LBB2_4-.Ltmp1, $4  }
0x37: {  	s10 =	sadd.s32 s10, s30;
	s11 =	sadd.s32 $0x1398, s11;
	[sflag:s31] =	ssyncadd.s32 $0xFFFFFF38  }
0x38: {  	[tilespmem:s11], [sflag:$0x2] =	stream.linear.gather [hbm4b:s10+s9], $0xC8, $0x38;
	[tilespmem:$0x11258] =	vst v63  }
0x39: {  	s11 =	smov.u32 s13;
	s10 =	smov.u32 s15;
	_ =	swait.ge [sflag:s31], $0xC8  }
0x3a: {  	[sflag:s31] =	ssyncset.done $0x0  }
0x3b: {  	s12 =	sadd.s32 s10, s29;
	[sflag:s31] =	ssyncadd.s32 $0xFFFFFF38  }
0x3c: {  	[tilespmem:s11], [sflag:$0x2] =	stream.linear.gather [hbm4b:s12+s9], $0xC8, $0x38;
	[tilespmem:$0x11258] =	vst v63  }
0x3d: {  	_ =	swait.ge [sflag:s31], $0xC8  }
0x3e: {  	[sflag:s31] =	ssyncset.done $0x0  }
0x3f: {  	s14 =	sadd.s32 $0x1398, s11;
	s15 =	sadd.s32 s10, s30;
	[sflag:s31] =	ssyncadd.s32 $0xFFFFFF38  }
0x40: {  	[tilespmem:s14], [sflag:$0x2] =	stream.linear.gather [hbm4b:s15+s9], $0xC8, $0x38;
	[tilespmem:$0x11258] =	vst v63  }
0x41: {  	_ =	swait.ge [sflag:s31], $0xC8  }
0x42: {  	[sflag:s31] =	ssyncset.done $0x0  }
0x43: {  	[sflag:s31] =	ssyncadd.s32 $0xFFFFFF38  }
.LBB2_6:
0x44: {  	s10 =	sshra.s32 s9, $0x2  }
0x45: {  	v1 =	vld [tilespmem:s10+$0x0];
	_ =	sdelay $0x4  }
0x46: {  	(xrf1) =	vunique.msk.u32 $0xffff, v1;
	_ =	sdelay $0xd  }
0x47: {  	_, v2, vm0 =	vpop (xrf1);
	_ =	sdelay $0x5  }
0x48: {  	[tilespmem:v1+s22+$0x0] =	vst.idx.add.s32.msk vm0, v2  }
0x49: {  	v1 =	vld [tilespmem:s10+$0x1398];
	_ =	sdelay $0x4  }
0x4a: {  	(xrf1) =	vunique.msk.u32 $0xffff, v1;
	_ =	sdelay $0xd  }
0x4b: {  	_, v2, vm0 =	vpop (xrf1)  }
0x4c: {  	p0 =	sne.s32 s9, $0x4DC0  }
.Ltmp2:
0x4d: {  	_ = 	snop;
	(pc) =	sbr.rel @p0 .LBB2_6-.Ltmp2, $2  }
0x4e: {  	_ =	sdelay $0x2  }
0x4f: {  	s9 =	sadd.s32 $0x40, s9;
	[tilespmem:v1+s0+$0x0] =	vst.idx.add.s32.msk vm0, v2  }
0x50: {  	v1 =	vld [tilespmem:$0x1380];
	_ =	sdelay $0x4  }
0x51: {  	(xrf1) =	vunique.msk.u32 $0xff, v1;
	_ =	sdelay $0xd  }
0x52: {  	_, v2, vm0 =	vpop (xrf1);
	_ =	sdelay $0x5  }
0x53: {  	[tilespmem:v1+s22+$0x0] =	vst.idx.add.s32.msk vm0, v2  }
0x54: {  	v1 =	vld [tilespmem:$0x2718];
	_ =	sdelay $0x4  }
0x55: {  	(xrf1) =	vunique.msk.u32 $0xff, v1;
	_ =	sdelay $0xd  }
0x56: {  	_, v2, vm0 =	vpop (xrf1);
	_ =	sdelay $0x5  }
0x57: {  	s9 =	simm.s32 $0x0;
	s10 =	rddreg [dreg:$0x4];
	[tilespmem:v1+s0+$0x0] =	vst.idx.add.s32.msk vm0, v2  }
0x58: {  	[hbm4b:s10+s9] =	stream.linear.scatter [tilespmem:s22], [sflag:$0x2], $0x3E8, $0x38;
	[tilespmem:$0x11258] =	vst v63  }
0x59: {  	_ =	swait.ge [sflag:s31], $0x3E8  }
0x5a: {  	[sflag:s31] =	ssyncset.done $0x0  }
0x5b: {  	s12 =	rddreg [dreg:$0x5];
	[sflag:s31] =	ssyncadd.s32 $0xFFFFFC18  }
0x5c: {  	[hbm4b:s12+s9] =	stream.linear.scatter [tilespmem:s0], [sflag:$0x2], $0x3E8, $0x38;
	[tilespmem:$0x11258] =	vst v63  }
0x5d: {  	_ =	swait.ge [sflag:s31], $0x3E8  }
0x5e: {  	[sflag:s31] =	ssyncset.done $0x0  }
0x5f: {  	s11 =	simm.s32 $0x2B18;
	s13 =	rddreg [dreg:$0x6];
	[sflag:s31] =	ssyncadd.s32 $0xFFFFFC18  }
0x60: {  	[hbm4b:s13+s9] =	stream.linear.scatter [tilespmem:s11], [sflag:$0x2], $0x3E8, $0x38;
	[tilespmem:$0x11258] =	vst v63  }
0x61: {  	_ =	swait.ge [sflag:s31], $0x3E8  }
0x62: {  	[sflag:s31] =	ssyncset.done $0x0  }
0x63: {  	s15 =	simm.s32 $0x5228;
	s14 =	rddreg [dreg:$0x7];
	[sflag:s31] =	ssyncadd.s32 $0xFFFFFC18  }
0x64: {  	[hbm4b:s14+s9] =	stream.linear.scatter [tilespmem:s15], [sflag:$0x2], $0x3E8, $0x38;
	[tilespmem:$0x11258] =	vst v63  }
0x65: {  	_ =	swait.ge [sflag:s31], $0x3E8  }
0x66: {  	[sflag:s31] =	ssyncset.done $0x0  }
0x67: {  	s13 =	simm.s32 $0x2F00;
	s12 =	rddreg [dreg:$0x8];
	[sflag:s31] =	ssyncadd.s32 $0xFFFFFC18  }
0x68: {  	[hbm4b:s12+s9] =	stream.linear.scatter [tilespmem:s13], [sflag:$0x2], $0x3E8, $0x38;
	[tilespmem:$0x11258] =	vst v63  }
0x69: {  	_ =	swait.ge [sflag:s31], $0x3E8  }
0x6a: {  	[sflag:s31] =	ssyncset.done $0x0  }
0x6b: {  	s15 =	simm.s32 $0x5610;
	s14 =	rddreg [dreg:$0x9];
	[sflag:s31] =	ssyncadd.s32 $0xFFFFFC18  }
0x6c: {  	[hbm4b:s14+s9] =	stream.linear.scatter [tilespmem:s15], [sflag:$0x2], $0x3E8, $0x38;
	[tilespmem:$0x11258] =	vst v63  }
0x6d: {  	_ =	swait.ge [sflag:s31], $0x3E8  }
0x6e: {  	[sflag:s31] =	ssyncset.done $0x0  }
0x6f: {  	s13 =	simm.s32 $0x32E8;
	s12 =	rddreg [dreg:$0xa];
	[sflag:s31] =	ssyncadd.s32 $0xFFFFFC18  }
0x70: {  	[hbm4b:s12+s9] =	stream.linear.scatter [tilespmem:s13], [sflag:$0x2], $0x3E8, $0x38;
	[tilespmem:$0x11258] =	vst v63  }
0x71: {  	_ =	swait.ge [sflag:s31], $0x3E8  }
0x72: {  	[sflag:s31] =	ssyncset.done $0x0  }
0x73: {  	s15 =	simm.s32 $0x59F8;
	s14 =	rddreg [dreg:$0xb];
	[sflag:s31] =	ssyncadd.s32 $0xFFFFFC18  }
0x74: {  	[hbm4b:s14+s9] =	stream.linear.scatter [tilespmem:s15], [sflag:$0x2], $0x3E8, $0x38;
	[tilespmem:$0x11258] =	vst v63  }
0x75: {  	_ =	swait.ge [sflag:s31], $0x3E8  }
0x76: {  	[sflag:s31] =	ssyncset.done $0x0  }
0x77: {  	s13 =	simm.s32 $0x36D0;
	s12 =	rddreg [dreg:$0xc];
	[sflag:s31] =	ssyncadd.s32 $0xFFFFFC18  }
0x78: {  	[hbm4b:s12+s9] =	stream.linear.scatter [tilespmem:s13], [sflag:$0x2], $0x3E8, $0x38;
	[tilespmem:$0x11258] =	vst v63  }
0x79: {  	_ =	swait.ge [sflag:s31], $0x3E8  }
0x7a: {  	[sflag:s31] =	ssyncset.done $0x0  }
0x7b: {  	s15 =	simm.s32 $0x5DE0;
	s14 =	rddreg [dreg:$0xd];
	[sflag:s31] =	ssyncadd.s32 $0xFFFFFC18  }
0x7c: {  	[hbm4b:s14+s9] =	stream.linear.scatter [tilespmem:s15], [sflag:$0x2], $0x3E8, $0x38;
	[tilespmem:$0x11258] =	vst v63  }
0x7d: {  	_ =	swait.ge [sflag:s31], $0x3E8  }
0x7e: {  	[sflag:s31] =	ssyncset.done $0x0  }
0x7f: {  	s13 =	simm.s32 $0x3AB8;
	s12 =	rddreg [dreg:$0xe];
	[sflag:s31] =	ssyncadd.s32 $0xFFFFFC18  }
0x80: {  	[hbm4b:s12+s9] =	stream.linear.scatter [tilespmem:s13], [sflag:$0x2], $0x3E8, $0x38;
	[tilespmem:$0x11258] =	vst v63  }
0x81: {  	_ =	swait.ge [sflag:s31], $0x3E8  }
0x82: {  	[sflag:s31] =	ssyncset.done $0x0  }
0x83: {  	s15 =	simm.s32 $0x61C8;
	s14 =	rddreg [dreg:$0xf];
	[sflag:s31] =	ssyncadd.s32 $0xFFFFFC18  }
0x84: {  	[hbm4b:s14+s9] =	stream.linear.scatter [tilespmem:s15], [sflag:$0x2], $0x3E8, $0x38;
	[tilespmem:$0x11258] =	vst v63  }
0x85: {  	_ =	swait.ge [sflag:s31], $0x3E8  }
0x86: {  	[sflag:s31] =	ssyncset.done $0x0  }
0x87: {  	s13 =	simm.s32 $0x3EA0;
	s12 =	rddreg [dreg:$0x10];
	[sflag:s31] =	ssyncadd.s32 $0xFFFFFC18  }
0x88: {  	[hbm4b:s12+s9] =	stream.linear.scatter [tilespmem:s13], [sflag:$0x2], $0x3E8, $0x38;
	[tilespmem:$0x11258] =	vst v63  }
0x89: {  	_ =	swait.ge [sflag:s31], $0x3E8  }
0x8a: {  	[sflag:s31] =	ssyncset.done $0x0  }
0x8b: {  	s15 =	simm.s32 $0x65B0;
	s14 =	rddreg [dreg:$0x11];
	[sflag:s31] =	ssyncadd.s32 $0xFFFFFC18  }
0x8c: {  	[hbm4b:s14+s9] =	stream.linear.scatter [tilespmem:s15], [sflag:$0x2], $0x3E8, $0x38;
	[tilespmem:$0x11258] =	vst v63  }
0x8d: {  	_ =	swait.ge [sflag:s31], $0x3E8  }
0x8e: {  	[sflag:s31] =	ssyncset.done $0x0  }
0x8f: {  	s13 =	simm.s32 $0x4288;
	s12 =	rddreg [dreg:$0x12];
	[sflag:s31] =	ssyncadd.s32 $0xFFFFFC18  }
0x90: {  	[hbm4b:s12+s9] =	stream.linear.scatter [tilespmem:s13], [sflag:$0x2], $0x3E8, $0x38;
	[tilespmem:$0x11258] =	vst v63  }
0x91: {  	_ =	swait.ge [sflag:s31], $0x3E8  }
0x92: {  	[sflag:s31] =	ssyncset.done $0x0  }
0x93: {  	s14 =	simm.s32 $0x6998;
	[sflag:s31] =	ssyncadd.s32 $0xFFFFFC18  }
0x94: {  	[hbm4b:s16+s9] =	stream.linear.scatter [tilespmem:s14], [sflag:$0x2], $0x3E8, $0x38;
	[tilespmem:$0x11258] =	vst v63  }
0x95: {  	_ =	swait.ge [sflag:s31], $0x3E8  }
0x96: {  	[sflag:s31] =	ssyncset.done $0x0  }
0x97: {  	s15 =	simm.s32 $0x4670;
	[sflag:s31] =	ssyncadd.s32 $0xFFFFFC18  }
0x98: {  	[hbm4b:s17+s9] =	stream.linear.scatter [tilespmem:s15], [sflag:$0x2], $0x3E8, $0x38;
	[tilespmem:$0x11258] =	vst v63  }
0x99: {  	_ =	swait.ge [sflag:s31], $0x3E8  }
0x9a: {  	[sflag:s31] =	ssyncset.done $0x0  }
0x9b: {  	s11 =	simm.s32 $0x6D80;
	[sflag:s31] =	ssyncadd.s32 $0xFFFFFC18  }
0x9c: {  	[hbm4b:s18+s9] =	stream.linear.scatter [tilespmem:s11], [sflag:$0x2], $0x3E8, $0x38;
	[tilespmem:$0x11258] =	vst v63  }
0x9d: {  	_ =	swait.ge [sflag:s31], $0x3E8  }
0x9e: {  	[sflag:s31] =	ssyncset.done $0x0  }
0x9f: {  	s12 =	simm.s32 $0x4A58;
	[sflag:s31] =	ssyncadd.s32 $0xFFFFFC18  }
0xa0: {  	[hbm4b:s19+s9] =	stream.linear.scatter [tilespmem:s12], [sflag:$0x2], $0x3E8, $0x38;
	[tilespmem:$0x11258] =	vst v63  }
0xa1: {  	_ =	swait.ge [sflag:s31], $0x3E8  }
0xa2: {  	[sflag:s31] =	ssyncset.done $0x0  }
0xa3: {  	s13 =	simm.s32 $0x7168;
	[sflag:s31] =	ssyncadd.s32 $0xFFFFFC18  }
0xa4: {  	[hbm4b:s20+s9] =	stream.linear.scatter [tilespmem:s13], [sflag:$0x2], $0x3E8, $0x38;
	[tilespmem:$0x11258] =	vst v63  }
0xa5: {  	_ =	swait.ge [sflag:s31], $0x3E8  }
0xa6: {  	[sflag:s31] =	ssyncset.done $0x0  }
0xa7: {  	s14 =	sadd.s32 $0x0, s24;
	[sflag:s31] =	ssyncadd.s32 $0xFFFFFC18  }
0xa8: {  	[tilespmem:s1], [sflag:$0x2] =	stream.linear.gather [hbm4b:s14+s21], $0x68, $0x38;
	[tilespmem:$0x11258] =	vst v63  }
0xa9: {  	_ =	swait.ge [sflag:s31], $0x68  }
0xaa: {  	[sflag:s31] =	ssyncset.done $0x0  }
0xab: {  	s15 =	sadd.s32 $0x0, s25;
	[sflag:s31] =	ssyncadd.s32 $0xFFFFFF98  }
0xac: {  	[tilespmem:s2], [sflag:$0x2] =	stream.linear.gather [hbm4b:s15+s21], $0x60, $0x38;
	[tilespmem:$0x11258] =	vst v63  }
0xad: {  	_ =	swait.ge [sflag:s31], $0x60  }
0xae: {  	[sflag:s31] =	ssyncset.done $0x0  }
0xaf: {  	[sflag:s31] =	ssyncadd.s32 $0xFFFFFFA0  }
0xb0: {  	[tilespmem:s4], [sflag:$0x1] =	stream.indirect.gather [hbm4b:s26+s3], $0xC8, s1, s3, $0xb8;
	[tilespmem:$0x11258] =	vst v63  }
0xb1: {  	_ =	swait.ge [sflag:s5], $0x5140  }
0xb2: {  	[sflag:s5] =	ssyncset.done $0x0  }
0xb3: {  	[sflag:s5] =	ssyncadd.s32 $0xFFFFAEC0  }
0xb4: {  	[tilespmem:s7], [sflag:$0x1] =	stream.indirect.gather [hbm4b:s26+s6], $0xC8, s2, s6, $0xb8;
	[tilespmem:$0x11258] =	vst v63  }
0xb5: {  	_ =	swait.ge [sflag:s5], $0x4B00  }
0xb6: {  	[sflag:s5] =	ssyncset.done $0x0  }
0xb7: {  	[sflag:s5] =	ssyncadd.s32 $0xFFFFB500  }
0xb8: {  	[hbm4b:s23+s21] =	stream.linear.scatter [tilespmem:s4], [sflag:$0x2], $0x9C40, $0x38;
	[tilespmem:$0x11258] =	vst v63  }
0xb9: {  	s10 =	simm.s32 $0x320;
	_ =	swait.ge [sflag:s31], $0x9C40  }
0xba: {  	s11 =	simm.s32 $0x640;
	s9 =	sadd.s32 $0x27100, s23;
	[sflag:s31] =	ssyncset.done $0x0  }
.LBB2_8:
0xbb: {  	s12 =	sadd.s32 s10, s24  }
0xbc: {  	[sflag:s31] =	ssyncadd.s32 $0xFFFF63C0;
	s13 =	smov.u32 s11;
	s14 =	sadd.s32 $0x320, s11  }
0xbd: {  	[tilespmem:s1], [sflag:$0x2] =	stream.linear.gather [hbm4b:s12+s21], $0x68, $0x38;
	[tilespmem:$0x11258] =	vst v63  }
0xbe: {  	p0 =	sne.s32 s11, $0x4B00;
	_ =	swait.ge [sflag:s31], $0x68  }
0xbf: {  	[sflag:s31] =	ssyncset.done $0x0  }
0xc0: {  	s11 =	sadd.s32 s10, s25;
	s10 =	smov.u32 s13;
	[sflag:s31] =	ssyncadd.s32 $0xFFFFFF98  }
0xc1: {  	[tilespmem:s2], [sflag:$0x2] =	stream.linear.gather [hbm4b:s11+s21], $0x60, $0x38;
	[tilespmem:$0x11258] =	vst v63  }
0xc2: {  	_ =	swait.ge [sflag:s31], $0x60  }
0xc3: {  	[sflag:s31] =	ssyncset.done $0x0  }
0xc4: {  	[sflag:s31] =	ssyncadd.s32 $0xFFFFFFA0  }
0xc5: {  	[tilespmem:s4], [sflag:$0x1] =	stream.indirect.gather [hbm4b:s26+s3], $0xC8, s1, s3, $0xb8;
	[tilespmem:$0x11258] =	vst v63  }
0xc6: {  	_ =	swait.ge [sflag:s5], $0x5140  }
0xc7: {  	[sflag:s5] =	ssyncset.done $0x0  }
0xc8: {  	[sflag:s5] =	ssyncadd.s32 $0xFFFFAEC0  }
0xc9: {  	[tilespmem:s7], [sflag:$0x1] =	stream.indirect.gather [hbm4b:s26+s6], $0xC8, s2, s6, $0xb8;
	[tilespmem:$0x11258] =	vst v63  }
0xca: {  	_ =	swait.ge [sflag:s5], $0x4B00  }
.Ltmp3:
0xcb: {  	[sflag:s5] =	ssyncset.done $0x0;
	(pc) =	sbr.rel @p0 .LBB2_8-.Ltmp3, $4  }
0xcc: {  	[sflag:s5] =	ssyncadd.s32 $0xFFFFB500  }
0xcd: {  	[hbm4b:s9+s21] =	stream.linear.scatter [tilespmem:s4], [sflag:$0x2], $0x9C40, $0x38;
	[tilespmem:$0x11258] =	vst v63  }
0xce: {  	_ =	swait.ge [sflag:s31], $0x9C40  }
0xcf: {  	s11 =	smov.u32 s14;
	s9 =	sadd.s32 $0x27100, s9;
	[sflag:s31] =	ssyncset.done $0x0  }
0xd0: {  	s11 =	sadd.s32 s10, s24;
	[sflag:s31] =	ssyncadd.s32 $0xFFFF63C0  }
0xd1: {  	[tilespmem:s1], [sflag:$0x2] =	stream.linear.gather [hbm4b:s11+s21], $0x68, $0x38;
	[tilespmem:$0x11258] =	vst v63  }
0xd2: {  	_ =	swait.ge [sflag:s31], $0x68  }
0xd3: {  	[sflag:s31] =	ssyncset.done $0x0  }
0xd4: {  	s15 =	sadd.s32 s10, s25;
	[sflag:s31] =	ssyncadd.s32 $0xFFFFFF98  }
0xd5: {  	[tilespmem:s2], [sflag:$0x2] =	stream.linear.gather [hbm4b:s15+s21], $0x60, $0x38;
	[tilespmem:$0x11258] =	vst v63  }
0xd6: {  	_ =	swait.ge [sflag:s31], $0x60  }
0xd7: {  	[sflag:s31] =	ssyncset.done $0x0  }
0xd8: {  	[sflag:s31] =	ssyncadd.s32 $0xFFFFFFA0  }
0xd9: {  	[tilespmem:s4], [sflag:$0x1] =	stream.indirect.gather [hbm4b:s26+s3], $0xC8, s1, s3, $0xb8;
	[tilespmem:$0x11258] =	vst v63  }
0xda: {  	_ =	swait.ge [sflag:s5], $0x5140  }
0xdb: {  	[sflag:s5] =	ssyncset.done $0x0  }
0xdc: {  	[sflag:s5] =	ssyncadd.s32 $0xFFFFAEC0  }
0xdd: {  	[tilespmem:s7], [sflag:$0x1] =	stream.indirect.gather [hbm4b:s26+s6], $0xC8, s2, s6, $0xb8;
	[tilespmem:$0x11258] =	vst v63  }
0xde: {  	s8 =	sadd.s32 $0x1, s8;
	_ =	swait.ge [sflag:s5], $0x4B00  }
0xdf: {  	p0 =	sne.s32 s8, s28;
	[sflag:s5] =	ssyncset.done $0x0  }
.Ltmp4:
0xe0: {  	[sflag:s5] =	ssyncadd.s32 $0xFFFFB500;
	(pc) =	sbr.rel @p0 .LBB2_1-.Ltmp4, $4  }
0xe1: {  	[hbm4b:s9+s21] =	stream.linear.scatter [tilespmem:s4], [sflag:$0x2], $0x9C40, $0x38;
	[tilespmem:$0x11258] =	vst v63  }
0xe2: {  	_ =	swait.ge [sflag:s31], $0x9C40  }
0xe3: {  	[sflag:s31] =	ssyncset.done $0x0  }
0xe4: {  	[sflag:s31] =	ssyncadd.s32 $0xFFFF63C0  }
0xe5: {  	_ =	sfence.sel $0x180000  }
0xe6: {  	[bflag:$0x0] =	sbarrier.arrive $0xFFFF  }
0xe7: {  	_ =	strace $0x90000047  }
0xe8: {  	s0 =	stileid.u32;
	[bflag:$0x2] =	sbarrier.arrive $0xFFFF  }
0xe9: {  	p0 =	sne.s32 s0, $0x0;
	s0 =	rddreg [dreg:$0x3]  }
0xea: {  	s0 =	sadd.s32 @!p0 $0x100000, s0  }
0xeb: {  	[sflag:s0] =	ssyncadd.tile.s32 @!p0 $0x1;
	_ =	shalt  }
.Lfunc_end2:
_tile_overlayer_lowered:
.L_overlay_start_2:
0xec: {  	(tag) =	ssettag $0x2  }
0xed: {  	s0 =	rddreg [dreg:$0x0];
	s2 =	stileid.u32  }
0xee: {  	s1 =	rddreg [dreg:$0x1];
	p0 =	sne.s32 s2, $0x0  }
0xef: {  	s3 =	rddreg [dreg:$0x2];
	[bflag:$0x3] =	sbarrier.arrive $0xFFFF;
	s2 =	simm.s32 @!p0 $0x1C02  }
0xf0: {  	[timem:s3], [sflag:s2] =	dma.local @!p0 [hbm:s0], s1  }
0xf1: {  	s0 =	simm.s32 @!p0 $0x2  }
0xf2: {  	_ =	swait.ge @!p0 [sflag:s0], s1  }
0xf3: {  	s1 =	ssub.s32 @!p0 $0x0, s1;
	[sflag:s0] =	ssyncset.done @!p0 $0x0  }
0xf4: {  	[sflag:s0] =	ssyncadd.s32 @!p0 s1  }
0xf5: {  	[bflag:$0x3] =	sbarrier.arrive $0xFFFF  }
0xf6: {  	_ =	shalt  }

// kernel: kernel.9.cloned.1.call-start
scs
__scs_entry_jumppad:
0x0: {  	(pc) =	sbr.rel $0x88, $3  }
0x1: {  	(tag) =	ssettag $0x0;
	lr =	simm.s32 $0x1  }
0x2: {  	[smem:$0x3F9B] =	sst lr;
	_ =	strace $0xD0000000  }
0x3: {  	_ = 	snop  }
0x4: {  	_ = 	snop  }
0x5: {  	_ = 	snop  }
0x6: {  	_ = 	snop  }
0x7: {  	_ = 	snop  }
__scs_overlays_trampoline_lowered:
0x8: {  	[smem:$0x3FAA] =	sst s0  }
0x9: {  	[smem:$0x3FAB] =	sst s1  }
0xa: {  	[smem:$0x3FAC] =	sst s2  }
0xb: {  	[smem:$0x3FAD] =	sst s3  }
0xc: {  	[smem:$0x3FAE] =	sst s4  }
0xd: {  	[smem:$0x3FAF] =	sst s5  }
0xe: {  	[smem:$0x3FB0] =	sst s6  }
0xf: {  	[smem:$0x3FB1] =	sst s7  }
0x10: {  	[smem:$0x3FB2] =	sst s8  }
0x11: {  	[smem:$0x3FB3] =	sst s9;
	s0 =	simm.s32 @!p0 $0x0  }
0x12: {  	s1 =	sld [smem:$0x3F99];
	s0 =	simm.s32 @p0 $0x1  }
0x13: {  	[smem:$0x3FB4] =	sst s0;
	s0 =	simm.s32 @!p1 $0x0  }
0x14: {  	s2 =	sld [smem:$0x3F98];
	s0 =	simm.s32 @p1 $0x1  }
0x15: {  	[smem:$0x3FB5] =	sst s0;
	s0 =	simm.s32 @!p2 $0x0  }
0x16: {  	s3 =	sld [smem:$0x3FDB];
	s0 =	simm.s32 @p2 $0x1  }
0x17: {  	s4 =	simm.s32 $0x1BF5;
	[smem:$0x3FB7] =	sst s0  }
0x18: {  	s0 =	sld [smem:$0x3F9A];
	_ =	swait.ge [sflag:s4], $0x0  }
0x19: {  	s7 =	sld [smem:$0x3F9B]  }
0x1a: {  	s8 =	sadd.s32 $0xFFFFE003, lr  }
0x1b: {  	s9 =	sadd.s32 $0xFFFFFEF7, lr;
	s5 =	simm.s32 $0xFFFFFFFF;
	p2 =	slt.u32 s8, $0xFFFFF086  }
0x1c: {  	p1 =	slt.u32 s9, $0xF7A;
	s5 =	simm.s32 @!p2 $0x0  }
0x1d: {  	s5 =	simm.s32 @p1 $0x1;
	p0 =	seq.s32 s7, s2  }
0x1e: {  	s7 =	smul.u32 @!p0 $0xF7A, s2;
	p2 =	seq.s32 @!p0 s5, $0x0  }
0x1f: {  	s9 =	smul.u32 $0xF7A, s1;
	s8 =	simm.s32 @!p0 $0x1BF5;
	p2 =	por !p2, p0  }
0x20: {  	[sflag:s8] =	ssyncset.s32 @!p0 $0xFFFFF086;
	s6 =	sadd.s32 @!p0 s3, s7;
	s7 =	simm.s32 @!p0 $0x108  }
0x21: {  	s3 =	sadd.s32 s3, s9;
	s6 =	sadd.s32 @!p0 $0x88, s6;
	s7 =	simm.s32 @p2 $0x1082  }
0x22: {  	[simem:s7], [sflag:s8] =	dma.local @!p0 [hbm:s6], $0xF7A  }
0x23: {  	s9 =	sor.u32 $0xD0000000, s2;
	s6 =	simm.s32 $0x108;
	_ =	swait.ge @!p0 [sflag:s8], $0x0  }
0x24: {  	s3 =	sadd.s32 $0x88, s3;
	s6 =	simm.s32 @!p1 $0x1082;
	[sflag:s4] =	ssyncset.s32 $0xFFFFF086  }
0x25: {  	[simem:s6], [sflag:s4] =	dma.local [hbm:s3], $0xF7A  }
0x26: {  	[smem:$0x3F9B] =	sst s1;
	(tag) =	ssettag s2;
	_ =	strace s9  }
0x27: {  	s1 =	sld [smem:$0x3FAB]  }
0x28: {  	s2 =	sld [smem:$0x3FAC]  }
0x29: {  	s4 =	sld [smem:$0x3FAE]  }
0x2a: {  	p0 =	seq.s32 s5, $0x0;
	s5 =	sld [smem:$0x3FAF]  }
0x2b: {  	s6 =	sld [smem:$0x3FB0]  }
0x2c: {  	s7 =	sld [smem:$0x3FB1]  }
0x2d: {  	s3 =	simm.s32 $0x108;
	s8 =	sld [smem:$0x3FB2]  }
0x2e: {  	s3 =	simm.s32 @!p0 $0x1082;
	s9 =	sld [smem:$0x3FB3]  }
0x2f: {  	lr =	sadd.s32 s0, s3;
	s0 =	sld [smem:$0x3FAA]  }
0x30: {  	s3 =	sld [smem:$0x3FAD]  }
0x31: {  	[smem:$0x3FB6] =	sst s10  }
0x32: {  	s10 =	sld [smem:$0x3FB4];
	_ =	sdelay $0x3  }
0x33: {  	p0 =	seq.s32 s10, $0x1;
	s10 =	sld [smem:$0x3FB6];
	_ =	sdelay $0x3  }
0x34: {  	[smem:$0x3FB6] =	sst s10  }
0x35: {  	s10 =	sld [smem:$0x3FB5];
	_ =	sdelay $0x3  }
0x36: {  	p1 =	seq.s32 s10, $0x1;
	s10 =	sld [smem:$0x3FB6];
	_ =	sdelay $0x3  }
0x37: {  	[smem:$0x3FB6] =	sst s10  }
0x38: {  	s10 =	sld [smem:$0x3FB7]  }
0x39: {  	_ = 	snop;
	(pc) =	sbr.ind lr, $3  }
0x3a: {  	_ = 	snop  }
0x3b: {  	_ = 	snop  }
0x3c: {  	p2 =	seq.s32 s10, $0x1;
	s10 =	sld [smem:$0x3FB6]  }
0x3d: {  	_ =	shalt  }
0x3e: {  	_ =	shalt  }
0x3f: {  	_ =	shalt  }
0x40: {  	_ =	shalt  }
0x41: {  	_ =	shalt  }
0x42: {  	_ =	shalt  }
0x43: {  	_ =	shalt  }
0x44: {  	_ =	shalt  }
0x45: {  	_ =	shalt  }
0x46: {  	_ =	shalt  }
0x47: {  	_ =	shalt  }
0x48: {  	_ =	shalt  }
0x49: {  	_ =	shalt  }
0x4a: {  	_ =	shalt  }
0x4b: {  	_ =	shalt  }
0x4c: {  	_ =	shalt  }
0x4d: {  	_ =	shalt  }
0x4e: {  	_ =	shalt  }
0x4f: {  	_ =	shalt  }
0x50: {  	_ =	shalt  }
0x51: {  	_ =	shalt  }
0x52: {  	_ =	shalt  }
0x53: {  	_ =	shalt  }
0x54: {  	_ =	shalt  }
0x55: {  	_ =	shalt  }
0x56: {  	_ =	shalt  }
0x57: {  	_ =	shalt  }
0x58: {  	_ =	shalt  }
0x59: {  	_ =	shalt  }
0x5a: {  	_ =	shalt  }
0x5b: {  	_ =	shalt  }
0x5c: {  	_ =	shalt  }
0x5d: {  	_ =	shalt  }
0x5e: {  	_ =	shalt  }
0x5f: {  	_ =	shalt  }
0x60: {  	_ =	shalt  }
0x61: {  	_ =	shalt  }
0x62: {  	_ =	shalt  }
0x63: {  	_ =	shalt  }
0x64: {  	_ =	shalt  }
0x65: {  	_ =	shalt  }
0x66: {  	_ =	shalt  }
0x67: {  	_ =	shalt  }
0x68: {  	_ =	shalt  }
0x69: {  	_ =	shalt  }
0x6a: {  	_ =	shalt  }
0x6b: {  	_ =	shalt  }
0x6c: {  	_ =	shalt  }
0x6d: {  	_ =	shalt  }
0x6e: {  	_ =	shalt  }
0x6f: {  	_ =	shalt  }
0x70: {  	_ =	shalt  }
0x71: {  	_ =	shalt  }
0x72: {  	_ =	shalt  }
0x73: {  	_ =	shalt  }
0x74: {  	_ =	shalt  }
0x75: {  	_ =	shalt  }
0x76: {  	_ =	shalt  }
0x77: {  	_ =	shalt  }
0x78: {  	_ =	shalt  }
0x79: {  	_ =	shalt  }
0x7a: {  	_ =	shalt  }
0x7b: {  	_ =	shalt  }
0x7c: {  	_ =	shalt  }
0x7d: {  	_ =	shalt  }
0x7e: {  	_ =	shalt  }
0x7f: {  	_ =	shalt  }
0x80: {  	_ =	shalt  }
0x81: {  	_ =	shalt  }
0x82: {  	_ =	shalt  }
0x83: {  	_ =	shalt  }
0x84: {  	_ =	shalt  }
0x85: {  	_ =	shalt  }
0x86: {  	_ =	shalt  }
0x87: {  	_ =	shalt  }
.Lfunc_end0:
.L_simem_size_0:
called_computation.2_lowered:
.L_overlay_start_0:
0x88: {  	s2 =	sld [smem:$0x3FD9]  }
0x89: {  	s3 =	sld [smem:$0x3FFE];
	_ =	sdelay $0x1  }
0x8a: {  	s1 =	srdreg.scid  }
0x8b: {  	s0 =	sand.u32 $0x1, s1  }
0x8c: {  	s14 =	sshll.u32 s0, $0xA;
	s2 =	sadd.s32 s3, s2  }
0x8d: {  	s2 =	sadd.s32 s2, s14  }
0x8e: {  	[smem:$0x3FC2] =	sst s2  }
0x8f: {  	_ = 	snop  }
0x90: {  	s2 =	sld [smem:$0x3FD0];
	_ =	sdelay $0x2  }
0x91: {  	s15 =	simm.s32 $0xB;
	s4 =	simm.s32 $0x10  }
0x92: {  	[smem:s4], [sflag:s15] =	dma.local [hbm:s2], $0x1  }
0x93: {  	_ =	swait.eq [sflag:s15], $0x1  }
0x94: {  	[sflag:s15] =	ssyncset.done $0x0  }
0x95: {  	[sflag:s15] =	ssyncadd.s32 $0xFFFFFFFF  }
0x96: {  	s16 =	sld [smem:$0x10];
	(tm) =	ssettm $0x1  }
0x97: {  	s17 =	sld [smem:$0x3FFB];
	_ =	sdelay $0x3  }
0x98: {  	_ =	strace s17  }
0x99: {  	s3 =	sld [smem:$0x3FFC];
	_ =	sdelay $0x3  }
0x9a: {  	_ =	strace s3  }
0x9b: {  	s3 =	sld [smem:$0x3FFD];
	_ =	sdelay $0x3  }
0x9c: {  	_ =	strace s3  }
0x9d: {  	_ =	strace $0x8FFFFFFF  }
0x9e: {  	s18 =	sld [smem:$0x3FDB];
	_ =	sdelay $0x1  }
0x9f: {  	s19 =	simm.s32 $_scs_section_size  }
0xa0: {  	s5 =	simm.s32 $_size__tile_overlayer_lowered;
	s6 =	simm.s32 $_tile_overlayer_lowered  }
0xa1: {  	s22 =	simm.s32 $0x1BFF;
	s21 =	sshll.u32 s6, $0x1;
	s3 =	sadd.s32 s19, s18  }
0xa2: {  	s7 =	simm.s32 $0x0;
	s20 =	sshll.u32 s5, $0x1;
	s5 =	sadd.s32 s21, s3  }
0xa3: {  	[timem:s7], [sflag:s22] =	dma.local [hbm:s5], s20  }
0xa4: {  	_ =	swait.ge [sflag:s22], s20  }
0xa5: {  	s4 =	ssub.s32 $0x0, s20;
	[sflag:s22] =	ssyncset.done $0x0  }
0xa6: {  	[sflag:s22] =	ssyncadd.s32 s4;
	_ =	sdelay $0x1  }
0xa7: {  	s23 =	simm.s32 $0x1B8B  }
0xa8: {  	_ =	swait.ge [sflag:s23], $0x1  }
0xa9: {  	[sflag:s23] =	ssyncset.done $0x0  }
0xaa: {  	s25 =	simm.s32 $0x1B8E;
	s24 =	sld [smem:$0x3FFE];
	[sflag:s23] =	ssyncadd.s32 $0xFFFFFFFF  }
0xab: {  	s26 =	simm.s32 $execute0_lowered;
	[smem:$0x3FD2] =	sst s25  }
0xac: {  	s5 =	sshll.u32 s26, $0x1;
	_ =	strace $0x80000049;
	[dreg:$0x1] =	wrdreg $0xFFFFFFFF  }
0xad: {  	s28 =	simm.s32 $_size_execute0_lowered;
	s3 =	sadd.s32 s3, s5;
	[dreg:$0x0] =	wrdreg $0x0  }
0xae: {  	s5 =	sshll.u32 s28, $0x1;
	[dreg:$0x2] =	wrdreg s3  }
0xaf: {  	[dreg:$0x3] =	wrdreg s5  }
0xb0: {  	[dreg:$0x4] =	wrdreg $0xC0  }
0xb1: {  	_ =	task [dreg:s7], $0x5FFFF  }
0xb2: {  	[dreg:$0x1] =	wrdreg $0xFFFFFFFF  }
0xb3: {  	[dreg:$0x0] =	wrdreg $0x60  }
0xb4: {  	[dreg:$0x2] =	wrdreg s16  }
0xb5: {  	[dreg:$0x3] =	wrdreg s24  }
0xb6: {  	[dreg:$0x4] =	wrdreg $0x0  }
0xb7: {  	[dreg:$0x5] =	wrdreg $0xA  }
0xb8: {  	_ =	task.clear_ibuf [dreg:s7], $0x6FFFF;
	_ =	strace $0x90000049  }
0xb9: {  	s29 =	simm.s32 $0xA;
	_ =	strace $0x8000004B  }
0xba: {  	_ =	swait.ge [sflag:s29], $0x1  }
0xbb: {  	[sflag:s29] =	ssyncadd.s32 $0xFFFFFFFF  }
0xbc: {  	_ =	strace $0x9000004B  }
0xbd: {  	_ =	sfence  }
0xbe: {  	s30 =	sld [smem:$0x0];
	_ =	sdelay $0x2  }
0xbf: {  	s31 =	sshll.u32 s1, $0xD;
	s1 =	sshrl.u32 s1, $0x2  }
0xc0: {  	s3 =	sand.u32 $0x4000, s31;
	s1 =	sadd.s32 s1, s30  }
0xc1: {  	s0 =	sor.u32 s3, s0;
	s1 =	sshll.u32 s1, $0x11  }
0xc2: {  	s0 =	sor.u32 s1, s0  }
0xc3: {  	s0 =	sadd.s32 $0x8F2B, s0  }
0xc4: {  	[sflag:s0] =	ssyncadd.remote.s32 $0x1  }
0xc5: {  	_ =	sfence.sel $0xFFFF  }
0xc6: {  	[dreg:$0x0] =	wrdreg $0xFFFFFFFF;
	(pc) =	sbr.abs _section_cstart, $3  }
0xc7: {  	[dreg:$0x1] =	wrdreg $0xFFFFFFFF  }
0xc8: {  	_ =	task.clear_ibuf [dreg:s7], $0x2FFFF;
	_ =	strace $0x9FFFFFFF  }
0xc9: {  	(tm) =	ssettm $0x7FFFFFFF  }
tec
execute0_lowered:
.L_overlay_start_1:
0x0: {  	(tag) =	ssettag $0x1  }
0x1: {  	s11 =	rddreg [dreg:$0x0]  }
0x2: {  	s6 =	rddreg [dreg:$0x1]  }
0x3: {  	s2 =	rddreg [dreg:$0x2]  }
0x4: {  	s3 =	simm.s32 $0x0;
	s1 =	stileid.u32;
	s5 =	srdreg.scid  }
0x5: {  	s17 =	simm.s32 $0x138E8;
	s18 =	simm.s32 $0x13948;
	s19 =	simm.s32 $0x139B0  }
0x6: {  	s20 =	simm.s32 $0x68;
	s21 =	simm.s32 $0x13A10;
	s4 =	smul.u32 $0x19, s1  }
0x7: {  	s22 =	simm.s32 $0x1;
	[smem:$0x7FF] =	sst s3;
	s8 =	smul.u32 $0x50000, s1  }
0x8: {  	s7 =	sand.u32 $0x1, s5;
	s5 =	sadd.s32 $0x1600, s6;
	s14 =	smul.u32 $0x14000, s1  }
0x9: {  	s15 =	sadd.s32 $0x6EC00, s6;
	s29 =	smul.u32 $0xC8, s1;
	p0 =	seq.s32 s1, $0xF  }
0xa: {  	_ =	strace $0x8000004A;
	s10 =	ssub.s32 $0x2, s7;
	s12 =	smul.u32 $0x138800, s7  }
0xb: {  	s24 =	smul.u32 $0x27100, s7;
	s9 =	sadd.s32 s4, s6;
	s4 =	sadd.s32 $0x20A00, s6  }
0xc: {  	s13 =	sshrl.u32 s10, $0x1;
	s23 =	sshrl.u32 s8, $0x2;
	s25 =	sadd.s32 s14, s2  }
0xd: {  	s10 =	ssub.s32 s10, s13;
	s16 =	sadd.s32 s23, s2;
	s26 =	sadd.s32 s14, s12  }
0xe: {  	s28 =	sshrl.u32 s12, $0x3;
	s13 =	sadd.s32 $0x12C000, s2;
	s12 =	sadd.s32 s29, s24  }
0xf: {  	s9 =	sadd.s32 $0x7E00, s9;
	s14 =	sshll.u32 @!p0 s1, $0x6;
	s23 =	simm.s32 $0x60  }
0x10: {  	s24 =	simm.s32 $0x16E10;
	s25 =	sshrl.u32 @!p0 s25, $0x3;
	s6 =	sshrl.u32 s26, $0x3  }
0x11: {  	s7 =	sadd.s32 s15, s28;
	s8 =	smax.u32 s10, $0x1;
	s30 =	sadd.s32 $0x68, s12  }
0x12: {  	s12 =	sshrl.u32 s12, $0x3;
	s26 =	simm.s32 $0x0;
	s6 =	sadd.s32 s15, s6  }
0x13: {  	s7 =	sadd.s32 $0x25800, s7;
	s31 =	sshrl.u32 s30, $0x3;
	s10 =	sadd.s32 s12, s11  }
0x14: {  	s12 =	sshrl.u32 @p0 s13, $0x3;
	s13 =	sor.u32 @!p0 $0x1C02, s14;
	s14 =	sshrl.u32 @!p0 s16, $0x3  }
0x15: {  	s15 =	simm.s32 $0x13880;
	s16 =	simm.s32 $0x2;
	s11 =	sadd.s32 s31, s11  }
.LBB2_1:
0x16: {  	s28 =	simm.s32 @p0 $0x1FC2  }
0x17: {  	[spmem:s12], [sflag:s28] =	dma.local @p0 [hbm:s5], $0x1900  }
0x18: {  	s28 =	simm.s32 @p0 $0x2  }
0x19: {  	_ =	swait.ge @p0 [sflag:s28], $0x1900  }
0x1a: {  	[sflag:s28] =	ssyncset.done @p0 $0x0  }
0x1b: {  	[sflag:s28] =	ssyncadd.s32 @p0 $0xFFFFE700;
	s28 =	simm.s32 @!p0 $0x2  }
0x1c: {  	[spmem:s14], [sflag:s13] =	dma.local @!p0 [hbm:s5], $0x2800  }
0x1d: {  	_ =	swait.ge @!p0 [sflag:s28], $0x2800  }
0x1e: {  	[sflag:s28] =	ssyncset.done @!p0 $0x0  }
0x1f: {  	[sflag:s28] =	ssyncadd.s32 @!p0 $0xFFFFD800  }
0x20: {  	s28 =	sadd.s32 $0x0, s10;
	[bflag:$0x0] =	sbarrier.arrive $0xFFFF  }
0x21: {  	[tilespmem:s15], [sflag:$0x2] =	stream.linear.gather [hbm4b:s28+s3], $0x68, $0x38;
	[tilespmem:$0x19E10] =	vst v63  }
0x22: {  	_ =	swait.ge [sflag:s16], $0x68  }
0x23: {  	[sflag:s16] =	ssyncset.done $0x0  }
0x24: {  	s28 =	sadd.s32 $0x0, s11;
	[sflag:s16] =	ssyncadd.s32 $0xFFFFFF98  }
0x25: {  	[tilespmem:s17], [sflag:$0x2] =	stream.linear.gather [hbm4b:s28+s3], $0x60, $0x38;
	[tilespmem:$0x19E10] =	vst v63  }
0x26: {  	_ =	swait.ge [sflag:s16], $0x60  }
0x27: {  	[sflag:s16] =	ssyncset.done $0x0  }
0x28: {  	s28 =	sadd.s32 $0x0, s9;
	[sflag:s16] =	ssyncadd.s32 $0xFFFFFFA0  }
0x29: {  	[tilespmem:s18], [sflag:$0x2] =	stream.linear.gather [hbm4b:s28+s3], $0x68, $0x38;
	[tilespmem:$0x19E10] =	vst v63  }
0x2a: {  	_ =	swait.ge [sflag:s16], $0x68  }
0x2b: {  	[sflag:s16] =	ssyncset.done $0x0  }
0x2c: {  	s28 =	sadd.s32 $0xD, s28;
	[sflag:s16] =	ssyncadd.s32 $0xFFFFFF98  }
0x2d: {  	[tilespmem:s19], [sflag:$0x2] =	stream.linear.gather [hbm4b:s28+s3], $0x60, $0x38;
	[tilespmem:$0x19E10] =	vst v63  }
0x2e: {  	_ =	swait.ge [sflag:s16], $0x60  }
0x2f: {  	[sflag:s16] =	ssyncset.done $0x0  }
0x30: {  	[sflag:s16] =	ssyncadd.s32 $0xFFFFFFA0  }
0x31: {  	[tilespmem:s21], [sflag:$0x1] =	stream.indirect.gather [hbm4b:s4+s20], $0x80, s15, s20, $0xb8;
	[tilespmem:$0x19E10] =	vst v63  }
0x32: {  	_ =	swait.ge [sflag:s22], $0x3400  }
0x33: {  	[sflag:s22] =	ssyncset.done $0x0  }
0x34: {  	[sflag:s22] =	ssyncadd.s32 $0xFFFFCC00  }
0x35: {  	[tilespmem:s24], [sflag:$0x1] =	stream.indirect.gather [hbm4b:s4+s23], $0x80, s17, s23, $0xb8;
	[tilespmem:$0x19E10] =	vst v63  }
0x36: {  	_ =	swait.ge [sflag:s22], $0x3000  }
0x37: {  	[sflag:s22] =	ssyncset.done $0x0  }
0x38: {  	[sflag:s22] =	ssyncadd.s32 $0xFFFFD000  }
0x39: {  	[spmem:s2] =	stream.indirect.scatter.add.f32 [tilespmem:s21], [sflag:$0x2], $0x80, s18, s20, $0xb8;
	[tilespmem:$0x19E10] =	vst v63  }
0x3a: {  	_ =	swait.ge [sflag:s16], $0x3400  }
0x3b: {  	[sflag:s16] =	ssyncset.done $0x0  }
0x3c: {  	[sflag:s16] =	ssyncadd.s32 $0xFFFFCC00  }
0x3d: {  	[spmem:s2] =	stream.indirect.scatter.add.f32 [tilespmem:s24], [sflag:$0x2], $0x80, s19, s23, $0xb8;
	[tilespmem:$0x19E10] =	vst v63  }
0x3e: {  	_ =	swait.ge [sflag:s16], $0x3000  }
0x3f: {  	s30 =	simm.s32 $0x320;
	s28 =	simm.s32 $0x190;
	[sflag:s16] =	ssyncset.done $0x0  }
.LBB2_2:
0x40: {  	s31 =	sadd.s32 s28, s10  }
0x41: {  	[sflag:s16] =	ssyncadd.s32 $0xFFFFD000;
	s0 =	smov.u32 s30;
	s29 =	sadd.s32 $0x190, s30  }
0x42: {  	[tilespmem:s15], [sflag:$0x2] =	stream.linear.gather [hbm4b:s31+s3], $0x68, $0x38;
	[tilespmem:$0x19E10] =	vst v63  }
0x43: {  	p1 =	sne.s32 s30, $0x4C90;
	_ =	swait.ge [sflag:s16], $0x68  }
0x44: {  	[sflag:s16] =	ssyncset.done $0x0  }
0x45: {  	s30 =	sadd.s32 s28, s11;
	[sflag:s16] =	ssyncadd.s32 $0xFFFFFF98  }
0x46: {  	[tilespmem:s17], [sflag:$0x2] =	stream.linear.gather [hbm4b:s30+s3], $0x60, $0x38;
	[tilespmem:$0x19E10] =	vst v63  }
0x47: {  	_ =	swait.ge [sflag:s16], $0x60  }
0x48: {  	[sflag:s16] =	ssyncset.done $0x0  }
0x49: {  	s30 =	sadd.s32 s28, s9;
	s28 =	smov.u32 s0;
	[sflag:s16] =	ssyncadd.s32 $0xFFFFFFA0  }
0x4a: {  	[tilespmem:s18], [sflag:$0x2] =	stream.linear.gather [hbm4b:s30+s3], $0x68, $0x38;
	[tilespmem:$0x19E10] =	vst v63  }
0x4b: {  	_ =	swait.ge [sflag:s16], $0x68  }
0x4c: {  	[sflag:s16] =	ssyncset.done $0x0  }
0x4d: {  	s0 =	sadd.s32 $0xD, s30;
	[sflag:s16] =	ssyncadd.s32 $0xFFFFFF98  }
0x4e: {  	[tilespmem:s19], [sflag:$0x2] =	stream.linear.gather [hbm4b:s0+s3], $0x60, $0x38;
	[tilespmem:$0x19E10] =	vst v63  }
0x4f: {  	_ =	swait.ge [sflag:s16], $0x60  }
0x50: {  	[sflag:s16] =	ssyncset.done $0x0  }
0x51: {  	[sflag:s16] =	ssyncadd.s32 $0xFFFFFFA0  }
0x52: {  	[tilespmem:s21], [sflag:$0x1] =	stream.indirect.gather [hbm4b:s4+s20], $0x80, s15, s20, $0xb8;
	[tilespmem:$0x19E10] =	vst v63  }
0x53: {  	_ =	swait.ge [sflag:s22], $0x3400  }
0x54: {  	[sflag:s22] =	ssyncset.done $0x0  }
0x55: {  	[sflag:s22] =	ssyncadd.s32 $0xFFFFCC00  }
0x56: {  	[tilespmem:s24], [sflag:$0x1] =	stream.indirect.gather [hbm4b:s4+s23], $0x80, s17, s23, $0xb8;
	[tilespmem:$0x19E10] =	vst v63  }
0x57: {  	_ =	swait.ge [sflag:s22], $0x3000  }
0x58: {  	[sflag:s22] =	ssyncset.done $0x0  }
0x59: {  	[sflag:s22] =	ssyncadd.s32 $0xFFFFD000  }
0x5a: {  	[spmem:s2] =	stream.indirect.scatter.add.f32 [tilespmem:s21], [sflag:$0x2], $0x80, s18, s20, $0xb8;
	[tilespmem:$0x19E10] =	vst v63  }
0x5b: {  	_ =	swait.ge [sflag:s16], $0x3400  }
.Ltmp0:
0x5c: {  	[sflag:s16] =	ssyncset.done $0x0;
	(pc) =	sbr.rel @p1 .LBB2_2-.Ltmp0, $4  }
0x5d: {  	[sflag:s16] =	ssyncadd.s32 $0xFFFFCC00  }
0x5e: {  	[spmem:s2] =	stream.indirect.scatter.add.f32 [tilespmem:s24], [sflag:$0x2], $0x80, s19, s23, $0xb8;
	[tilespmem:$0x19E10] =	vst v63  }
0x5f: {  	_ =	swait.ge [sflag:s16], $0x3000  }
0x60: {  	s30 =	smov.u32 s29;
	[sflag:s16] =	ssyncset.done $0x0  }
0x61: {  	s0 =	sadd.s32 s28, s10;
	[sflag:s16] =	ssyncadd.s32 $0xFFFFD000  }
0x62: {  	[tilespmem:s15], [sflag:$0x2] =	stream.linear.gather [hbm4b:s0+s3], $0x68, $0x38;
	[tilespmem:$0x19E10] =	vst v63  }
0x63: {  	_ =	swait.ge [sflag:s16], $0x68  }
0x64: {  	[sflag:s16] =	ssyncset.done $0x0  }
0x65: {  	s30 =	sadd.s32 s28, s11;
	[sflag:s16] =	ssyncadd.s32 $0xFFFFFF98  }
0x66: {  	[tilespmem:s17], [sflag:$0x2] =	stream.linear.gather [hbm4b:s30+s3], $0x60, $0x38;
	[tilespmem:$0x19E10] =	vst v63  }
0x67: {  	_ =	swait.ge [sflag:s16], $0x60  }
0x68: {  	[sflag:s16] =	ssyncset.done $0x0  }
0x69: {  	s31 =	sadd.s32 s28, s9;
	[sflag:s16] =	ssyncadd.s32 $0xFFFFFFA0  }
0x6a: {  	[tilespmem:s18], [sflag:$0x2] =	stream.linear.gather [hbm4b:s31+s3], $0x68, $0x38;
	[tilespmem:$0x19E10] =	vst v63  }
0x6b: {  	_ =	swait.ge [sflag:s16], $0x68  }
0x6c: {  	[sflag:s16] =	ssyncset.done $0x0  }
0x6d: {  	s0 =	sadd.s32 $0xD, s31;
	[sflag:s16] =	ssyncadd.s32 $0xFFFFFF98  }
0x6e: {  	[tilespmem:s19], [sflag:$0x2] =	stream.linear.gather [hbm4b:s0+s3], $0x60, $0x38;
	[tilespmem:$0x19E10] =	vst v63  }
0x6f: {  	_ =	swait.ge [sflag:s16], $0x60  }
0x70: {  	[sflag:s16] =	ssyncset.done $0x0  }
0x71: {  	[sflag:s16] =	ssyncadd.s32 $0xFFFFFFA0  }
0x72: {  	[tilespmem:s21], [sflag:$0x1] =	stream.indirect.gather [hbm4b:s4+s20], $0x80, s15, s20, $0xb8;
	[tilespmem:$0x19E10] =	vst v63  }
0x73: {  	_ =	swait.ge [sflag:s22], $0x3400  }
0x74: {  	[sflag:s22] =	ssyncset.done $0x0  }
0x75: {  	[sflag:s22] =	ssyncadd.s32 $0xFFFFCC00  }
0x76: {  	[tilespmem:s24], [sflag:$0x1] =	stream.indirect.gather [hbm4b:s4+s23], $0x80, s17, s23, $0xb8;
	[tilespmem:$0x19E10] =	vst v63  }
0x77: {  	_ =	swait.ge [sflag:s22], $0x3000  }
0x78: {  	[sflag:s22] =	ssyncset.done $0x0  }
0x79: {  	[sflag:s22] =	ssyncadd.s32 $0xFFFFD000  }
0x7a: {  	[spmem:s2] =	stream.indirect.scatter.add.f32 [tilespmem:s21], [sflag:$0x2], $0x80, s18, s20, $0xb8;
	[tilespmem:$0x19E10] =	vst v63  }
0x7b: {  	_ =	swait.ge [sflag:s16], $0x3400  }
0x7c: {  	[sflag:s16] =	ssyncset.done $0x0  }
0x7d: {  	[sflag:s16] =	ssyncadd.s32 $0xFFFFCC00  }
0x7e: {  	[spmem:s2] =	stream.indirect.scatter.add.f32 [tilespmem:s24], [sflag:$0x2], $0x80, s19, s23, $0xb8;
	[tilespmem:$0x19E10] =	vst v63  }
0x7f: {  	_ =	swait.ge [sflag:s16], $0x3000  }
0x80: {  	[sflag:s16] =	ssyncset.done $0x0  }
0x81: {  	[sflag:s16] =	ssyncadd.s32 $0xFFFFD000  }
0x82: {  	s0 =	simm.s32 @p0 $0x1FC2;
	[bflag:$0x0] =	sbarrier.arrive $0xFFFF  }
0x83: {  	[hbm:s7], [sflag:s0] =	dma.local @p0 [spmem:s12], $0x1900  }
0x84: {  	s0 =	simm.s32 @p0 $0x2  }
0x85: {  	s26 =	sadd.s32 $0x1, s26;
	_ =	swait.ge @p0 [sflag:s0], $0x1900  }
0x86: {  	p1 =	sne.s32 s26, s8;
	[sflag:s0] =	ssyncset.done @p0 $0x0  }
.Ltmp1:
0x87: {  	[sflag:s0] =	ssyncadd.s32 @p0 $0xFFFFE700;
	s0 =	simm.s32 @!p0 $0x2;
	(pc) =	sbr.rel @p1 .LBB2_1-.Ltmp1, $4  }
0x88: {  	[hbm:s6], [sflag:s13] =	dma.local @!p0 [spmem:s25], $0x2800  }
0x89: {  	_ =	swait.ge @!p0 [sflag:s0], $0x2800  }
0x8a: {  	[sflag:s0] =	ssyncset.done @!p0 $0x0  }
0x8b: {  	[sflag:s0] =	ssyncadd.s32 @!p0 $0xFFFFD800  }
0x8c: {  	_ =	sfence.sel $0x180000  }
0x8d: {  	[bflag:$0x0] =	sbarrier.arrive $0xFFFF  }
0x8e: {  	_ =	strace $0x9000004A  }
0x8f: {  	[bflag:$0x2] =	sbarrier.arrive $0xFFFF  }
0x90: {  	p0 =	sne.s32 s1, $0x0;
	s0 =	rddreg [dreg:$0x3]  }
0x91: {  	s0 =	sadd.s32 @!p0 $0x100000, s0  }
0x92: {  	[sflag:s0] =	ssyncadd.tile.s32 @!p0 $0x1;
	_ =	shalt  }
.Lfunc_end2:
_tile_overlayer_lowered:
.L_overlay_start_2:
0x93: {  	(tag) =	ssettag $0x2  }
0x94: {  	s0 =	rddreg [dreg:$0x0];
	s2 =	stileid.u32  }
0x95: {  	s1 =	rddreg [dreg:$0x1];
	p0 =	sne.s32 s2, $0x0  }
0x96: {  	s3 =	rddreg [dreg:$0x2];
	[bflag:$0x3] =	sbarrier.arrive $0xFFFF;
	s2 =	simm.s32 @!p0 $0x1C02  }
0x97: {  	[timem:s3], [sflag:s2] =	dma.local @!p0 [hbm:s0], s1  }
0x98: {  	s0 =	simm.s32 @!p0 $0x2  }
0x99: {  	_ =	swait.ge @!p0 [sflag:s0], s1  }
0x9a: {  	s1 =	ssub.s32 @!p0 $0x0, s1;
	[sflag:s0] =	ssyncset.done @!p0 $0x0  }
0x9b: {  	[sflag:s0] =	ssyncadd.s32 @!p0 s1  }
0x9c: {  	[bflag:$0x3] =	sbarrier.arrive $0xFFFF  }
0x9d: {  	_ =	shalt  }

// kernel: sparse-core-data-format-call.cloned.1.call-start
scs
called_computation_lowered:
.L_overlay_start_0:
0x0: {  	s2 =	sld [smem:$0x3FD9]  }
0x1: {  	s3 =	sld [smem:$0x3FFE];
	_ =	sdelay $0x1  }
0x2: {  	s1 =	srdreg.scid  }
0x3: {  	s0 =	sand.u32 $0x1, s1  }
0x4: {  	s16 =	sshll.u32 s0, $0xA;
	s2 =	sadd.s32 s3, s2  }
0x5: {  	s2 =	sadd.s32 s2, s16  }
0x6: {  	[smem:$0x3FC2] =	sst s2  }
0x7: {  	_ = 	snop  }
0x8: {  	s2 =	sld [smem:$0x3FD0];
	_ =	sdelay $0x2  }
0x9: {  	s17 =	simm.s32 $0xB;
	s4 =	simm.s32 $0x10  }
0xa: {  	[smem:s4], [sflag:s17] =	dma.local [hbm:s2], $0x1  }
0xb: {  	_ =	swait.eq [sflag:s17], $0x1  }
0xc: {  	[sflag:s17] =	ssyncset.done $0x0  }
0xd: {  	[sflag:s17] =	ssyncadd.s32 $0xFFFFFFFF  }
0xe: {  	s18 =	sld [smem:$0x11];
	(tm) =	ssettm $0x1  }
0xf: {  	s19 =	sld [smem:$0x3FFB];
	_ =	sdelay $0x3  }
0x10: {  	_ =	strace s19  }
0x11: {  	s2 =	sld [smem:$0x3FFC];
	_ =	sdelay $0x3  }
0x12: {  	_ =	strace s2  }
0x13: {  	s2 =	sld [smem:$0x3FFD];
	_ =	sdelay $0x3  }
0x14: {  	_ =	strace s2  }
0x15: {  	_ =	strace $0x8FFFFFFF  }
0x16: {  	s20 =	sld [smem:$0x3FDB];
	_ =	sdelay $0x1  }
0x17: {  	s21 =	simm.s32 $_scs_section_size  }
0x18: {  	s5 =	simm.s32 $_size__tile_overlayer_lowered;
	s6 =	simm.s32 $_tile_overlayer_lowered  }
0x19: {  	s7 =	simm.s32 $0x1BFF;
	s22 =	sshll.u32 s6, $0x1;
	s4 =	sadd.s32 s21, s20  }
0x1a: {  	s23 =	simm.s32 $0x0;
	s5 =	sshll.u32 s5, $0x1;
	s6 =	sadd.s32 s22, s4  }
0x1b: {  	[timem:s23], [sflag:s7] =	dma.local [hbm:s6], s5  }
0x1c: {  	_ =	swait.ge [sflag:s7], s5  }
0x1d: {  	s5 =	ssub.s32 $0x0, s5;
	[sflag:s7] =	ssyncset.done $0x0  }
0x1e: {  	[sflag:s7] =	ssyncadd.s32 s5;
	_ =	sdelay $0x1  }
0x1f: {  	s24 =	simm.s32 $0x1B8B  }
0x20: {  	_ =	swait.ge [sflag:s24], $0x1  }
0x21: {  	[sflag:s24] =	ssyncset.done $0x0  }
0x22: {  	[sflag:s24] =	ssyncadd.s32 $0xFFFFFFFF  }
0x23: {  	s5 =	sld [smem:$0x0]  }
0x24: {  	s6 =	sand.u32 $0xFFFFFFFE, s1  }
0x25: {  	p0 =	sne.s32 s1, s6  }
0x26: {  	s6 =	sshll.u32 @p0 s6, $0xE  }
0x27: {  	s6 =	sadd.s32 @p0 $0x11B8D, s6;
	s7 =	sshll.u32 @p0 s5, $0x11  }
0x28: {  	s6 =	sor.u32 @p0 s7, s6  }
0x29: {  	[sflag:s6] =	ssyncadd.remote.s32 @p0 $0x1;
	_ =	sdelay $0x1  }
0x2a: {  	s6 =	simm.s32 @p0 $0x1B8D  }
0x2b: {  	_ =	swait.eq @p0 [sflag:s6], $0x1  }
0x2c: {  	[sflag:s6] =	ssyncadd.s32 @p0 $0xFFFFFFFF  }
0x2d: {  	s7 =	sshll.u32 @!p0 s1, $0xE  }
0x2e: {  	s7 =	sor.u32 @!p0 $0x4000, s7;
	s6 =	simm.s32 @!p0 $0x1B8D  }
0x2f: {  	s5 =	sshll.u32 @!p0 s5, $0x11;
	s7 =	sadd.s32 @!p0 $0x11B8D, s7;
	_ =	swait.eq @!p0 [sflag:s6], $0x1  }
0x30: {  	s5 =	sor.u32 @!p0 s5, s7;
	[sflag:s6] =	ssyncadd.s32 @!p0 $0xFFFFFFFF  }
0x31: {  	s26 =	simm.s32 $0x1B8E;
	s25 =	sld [smem:$0x3FFE];
	[sflag:s5] =	ssyncadd.remote.s32 @!p0 $0x1  }
0x32: {  	s27 =	simm.s32 $execute0_lowered;
	[smem:$0x3FD2] =	sst s26  }
0x33: {  	s6 =	sshll.u32 s27, $0x1;
	_ =	strace $0x8000004C;
	[dreg:$0x1] =	wrdreg $0xFFFFFFFF  }
0x34: {  	s28 =	simm.s32 $_size_execute0_lowered;
	s4 =	sadd.s32 s4, s6;
	[dreg:$0x0] =	wrdreg $0x0  }
0x35: {  	s6 =	sshll.u32 s28, $0x1;
	[dreg:$0x2] =	wrdreg s4  }
0x36: {  	[dreg:$0x3] =	wrdreg s6  }
0x37: {  	[dreg:$0x4] =	wrdreg $0xC0  }
0x38: {  	_ =	task [dreg:s23], $0x5FFFF  }
0x39: {  	[dreg:$0x1] =	wrdreg $0xFFFFFFFF  }
0x3a: {  	[dreg:$0x0] =	wrdreg $0x60  }
0x3b: {  	[dreg:$0x2] =	wrdreg s25  }
0x3c: {  	[dreg:$0x3] =	wrdreg s18  }
0x3d: {  	[dreg:$0x4] =	wrdreg $0x9  }
0x3e: {  	_ =	task.clear_ibuf [dreg:s23], $0x5FFFF;
	_ =	strace $0x9000004C  }
0x3f: {  	s29 =	simm.s32 $0x9;
	_ =	strace $0x8000004E  }
0x40: {  	_ =	swait.ge [sflag:s29], $0x1  }
0x41: {  	[sflag:s29] =	ssyncadd.s32 $0xFFFFFFFF  }
0x42: {  	_ =	strace $0x9000004E  }
0x43: {  	_ =	sfence  }
0x44: {  	s30 =	sld [smem:$0x0];
	_ =	sdelay $0x2  }
0x45: {  	s31 =	sshll.u32 s1, $0xD;
	s1 =	sshrl.u32 s1, $0x2  }
0x46: {  	s4 =	sand.u32 $0x4000, s31;
	s1 =	sadd.s32 s1, s30  }
0x47: {  	s0 =	sor.u32 s4, s0;
	s1 =	sshll.u32 s1, $0x11  }
0x48: {  	s0 =	sor.u32 s1, s0  }
0x49: {  	s0 =	sadd.s32 $0x8F2B, s0  }
0x4a: {  	[sflag:s0] =	ssyncadd.remote.s32 $0x1  }
0x4b: {  	_ =	sfence.sel $0xFFFF  }
0x4c: {  	[dreg:$0x0] =	wrdreg $0xFFFFFFFF;
	(pc) =	sbr.abs _section_cstart, $3  }
0x4d: {  	[dreg:$0x1] =	wrdreg $0xFFFFFFFF  }
0x4e: {  	_ =	task.clear_ibuf [dreg:s23], $0x2FFFF;
	_ =	strace $0x9FFFFFFF  }
0x4f: {  	(tm) =	ssettm $0x7FFFFFFF  }
tec
execute0_lowered:
.L_overlay_start_1:
0x0: {  	(tag) =	ssettag $0x1  }
0x1: {  	s4 =	rddreg [dreg:$0x0]  }
0x2: {  	s2 =	rddreg [dreg:$0x1]  }
0x3: {  	s0 =	rddreg [dreg:$0x2];
	s1 =	stileid.u32;
	_ =	strace $0x8000004D  }
0x4: {  	s5 =	srdreg.scid;
	s9 =	simm.s32 $0x2;
	s14 =	simm.s32 $0x0  }
0x5: {  	s16 =	simm.s32 $0x0;
	s11 =	simm.s32 $0x0;
	s12 =	simm.s32 $0x0  }
0x6: {  	s15 =	simm.s32 $0x0;
	s3 =	sshll.u32 s1, $0x7;
	s4 =	sadd.s32 $0xBCE00, s4  }
0x7: {  	s7 =	sshll.u32 s5, $0x7;
	s5 =	simm.s32 $0x1;
	s6 =	ssub.s32 $0x27100, s3  }
.Ltmp0:
0x8: {  	[sflag:s5] =	ssyncpa.u1 $0x0;
	s8 =	sand.u32 $0x780, s6;
	(pc) =	sbr.rel .LBB1_1-.Ltmp0, $4  }
0x9: {  	s13 =	smov.u32 s3;
	p0 =	sne.s32 s8, $0x0;
	s8 =	simm.s32 $0x1  }
0xa: {  	s10 =	sshrl.u32 s6, $0xB;
	s6 =	sand.u32 $0x80, s7;
	s8 =	simm.s32 @!p0 $0x0  }
0xb: {  	[sflag:s9] =	ssyncpa.u1 $0x0;
	p0 =	por $0x0, $0x0;
	s7 =	sadd.s32 s8, s10  }
0xc: {  	s8 =	sshll.u32 s6, $0x3;
	s10 =	simm.s32 $0x138800;
	s9 =	sadd.s32 $0x1, s7  }
.LBB1_4:
0xd: {  	s22 =	sshrl.u32 s11, $0x3  }
0xe: {  	s23 =	sshll.u32 s12, $0x3;
	s22 =	smul.u32 $0x138800, s22  }
0xf: {  	s23 =	sand.u32 $0xFFFFFC00, s23  }
0x10: {  	s24 =	sand.u32 $0x7F, s12;
	s22 =	sadd.s32 s23, s22  }
0x11: {  	s23 =	sor.u32 s24, s22;
	s22 =	smulhi.u32 $0xD1B71759, s22  }
0x12: {  	v5 =	vld [tilespmem:s18+$0xFFFFFFD0];
	[tilespmem:s20+$0x2040 ss:$0x81] =	vst.msk $0xffff, v4;
	p1 =	sgt.s32 s12, $0x27080;
	s25 =	smov.u32 s12;
	s26 =	sshra.s32 s12, $0x1F  }
0x13: {  	v58 =	vld [tilespmem:s18+$0xFFFFFFE0];
	[tilespmem:s20+$0x2850 ss:$0x81] =	vst.msk $0xffff, v3;
	s25 =	simm.s32 @!p1 $0x27080;
	s26 =	sand.u32 s26, s12;
	s22 =	sshrl.u32 s22, $0x11  }
0x14: {  	s21 =	sshra.s32 s21, $0x2;
	v59 =	vld [tilespmem:s18+$0xFFFFFFF0];
	[tilespmem:s20+$0x3060 ss:$0x81] =	vst.msk $0xffff, v2;
	s29 =	ssub.s32 s25, s26;
	s27 =	smul.u32 $0x147B, s22  }
0x15: {  	[tilespmem:s20+$0x0 ss:$0x81] =	vst.msk $0xffff, v0;
	v60 =	vld [tilespmem:s18+$0x0];
	s19 =	sadd.s32 s21, s19;
	s25 =	sadd.s32 $0xFFFD8F80, s29;
	s24 =	smulhi.u32 $0xD1B71759, s23  }
0x16: {  	v61 =	vld [tilespmem:s18+$0x10];
	p1 =	sgt.s32 s11, $0x48;
	[tilespmem:s19+$0x3870 ss:$0x81] =	vst.msk $0xffff, v1;
	p2 =	sgt.s32 s25, $0x7F;
	s31 =	sshrl.u32 s27, $0x14  }
0x17: {  	v62 =	vld [tilespmem:s18+$0x20];
	s25 =	smov.u32 s11;
	[tilespmem:s19+$0x810 ss:$0x81] =	vst.msk $0xffff, v5;
	s30 =	sshrl.u32 s24, $0x11;
	s24 =	smul.u32 $0xC8, s31  }
0x18: {  	v63 =	vld [tilespmem:s18+$0xFFFFFFC0];
	s20 =	ssub.s32 $0x27100, s29;
	s25 =	simm.s32 @!p1 $0x48;
	[tilespmem:s19+$0x1020 ss:$0x81] =	vst.msk $0xffff, v58;
	s26 =	smul.u32 $0x27100, s30  }
0x19: {  	[tilespmem:s19+$0x1830 ss:$0x81] =	vst.msk $0xffff, v59;
	s20 =	simm.s32 @p2 $0x0;
	s28 =	ssub.s32 $0xC8, s25;
	s27 =	ssub.s32 s22, s24  }
0x1a: {  	[tilespmem:s19+$0x2040 ss:$0x81] =	vst.msk $0xffff, v60;
	s20 =	smul.u32 s28, s20;
	s18 =	ssub.s32 s23, s26;
	s21 =	sand.u32 $0xFFFF, s27  }
0x1b: {  	[tilespmem:s19+$0x2850 ss:$0x81] =	vst.msk $0xffff, v61;
	s29 =	sshrl.u32 s18, $0x3;
	s18 =	sand.u32 $0x7, s18;
	s21 =	smul.u32 $0x4E20, s21  }
0x1c: {  	[tilespmem:s19+$0x3060 ss:$0x81] =	vst.msk $0xffff, v62;
	s22 =	sadd.s32 s2, s29;
	s18 =	sshll.u32 s18, $0x12  }
0x1d: {  	[tilespmem:s19+$0x0 ss:$0x81] =	vst.msk $0xffff, v63;
	s30 =	sand.u32 $0x3FFFFFF8, s20;
	s18 =	sor.u32 $0x400, s18;
	s31 =	sadd.s32 s21, s22  }
0x1e: {  	[hbm4b:s31+s18] =	stream.strided.scatter [tilespmem:s17], [sflag:$0x2], s30, s10, s18, $0x20;
	[tilespmem:$0x10100] =	vst v63  }
.LBB1_5:
0x1f: {  	p1 =	slt.u32 s15, $0x2  }
0x20: {  	p2 =	sgt.s32 @!p1 s16, $0x27080  }
0x21: {  	s17 =	smov.u32 s16;
	s18 =	sshra.s32 @!p1 s16, $0x1F;
	p2 =	por !p2, p1  }
0x22: {  	s16 =	sand.u32 @!p1 s18, s16;
	s17 =	simm.s32 @p2 $0x27080  }
0x23: {  	s16 =	ssub.s32 @!p1 s17, s16  }
0x24: {  	p2 =	sgt.s32 @!p1 s14, $0x48;
	s17 =	sadd.s32 @!p1 $0xFFFD8F80, s16  }
0x25: {  	s18 =	sadd.s32 $0x800, s13;
	p2 =	por !p2, p1;
	p3 =	sgt.s32 @!p1 s17, $0x7F  }
0x26: {  	s14 =	simm.s32 @p2 $0x48;
	s16 =	ssub.s32 @!p1 $0x27100, s16;
	p2 =	por !p3, p1  }
0x27: {  	s14 =	ssub.s32 @!p1 $0xC8, s14;
	s16 =	simm.s32 @!p2 $0x0;
	p2 =	sgt.s32 s18, $0x270FF  }
0x28: {  	s14 =	smul.u32 @!p1 s14, s16;
	s18 =	smov.u32 @p2 s3;
	p2 =	sne.s32 s15, s9  }
.Ltmp1:
0x29: {  	s20 =	sadd.s32 $0x1, s15;
	p0 =	por !p0, !p0;
	(pc) =	sbr.rel @!p2 .LBB1_6-.Ltmp1, $4  }
0x2a: {  	s17 =	simm.s32 @!p1 $0x2;
	s16 =	smov.u32 s12;
	s14 =	sand.u32 @!p1 $0x3FFFFFFF, s14  }
0x2b: {  	s12 =	smov.u32 s13;
	s15 =	smov.u32 s20;
	_ =	swait.ge @!p1 [sflag:s17], s14  }
0x2c: {  	s13 =	smov.u32 s18;
	s19 =	ssub.s32 @!p1 $0x0, s14;
	[sflag:s17] =	ssyncset.done @!p1 $0x0  }
0x2d: {  	s14 =	smov.u32 s11;
	s11 =	smov.u32 s6;
	[sflag:s17] =	ssyncadd.s32 @!p1 s19  }
.LBB1_1:
0x2e: {  	p1 =	sge.u32 s15, s7  }
0x2f: {  	s17 =	sshll.u32 @!p1 s13, $0x8  }
0x30: {  	s18 =	sshll.u32 @!p1 s13, $0x7;
	s17 =	sand.u32 @!p1 $0xFFFFF800, s17  }
0x31: {  	s18 =	sand.u32 @!p1 $0x300, s18;
	s17 =	sor.u32 @!p1 s8, s17  }
0x32: {  	s17 =	sor.u32 @!p1 s18, s17  }
0x33: {  	s17 =	sshrl.u32 @!p1 s17, $0x8  }
0x34: {  	s18 =	smulhi.u32 @!p1 $0x1A36E3, s17;
	_ =	sdelay $0x1  }
0x35: {  	s18 =	sshrl.u32 @!p1 s18, $0x6  }
0x36: {  	s18 =	smul.u32 @!p1 $0x27100, s18  }
0x37: {  	s31 =	sadd.s32 $0xFFFFFFFF, s15;
	s19 =	sxor.u32 @!p1 $0xFFFFFFFF, s15;
	s20 =	sshll.u32 @!p1 s13, $0x4  }
0x38: {  	s19 =	sshll.u32 @!p1 s19, $0xE;
	s17 =	ssub.s32 @!p1 s17, s18;
	s18 =	sand.u32 @!p1 $0x10, s20  }
0x39: {  	s19 =	sand.u32 @!p1 $0x4000, s19;
	s17 =	sshll.u32 @!p1 s17, $0x5;
	s18 =	sadd.s32 @!p1 s4, s18  }
0x3a: {  	s20 =	simm.s32 @!p1 $0x800;
	s17 =	sadd.s32 @!p1 s17, s18;
	s18 =	simm.s32 @!p1 $0x400  }
0x3b: {  	[tilespmem:s19], [sflag:$0x1] =	stream.strided.gather @!p1 [hbm4b:s17+s18], $0x4000, s20, s18, $0x38;
	[tilespmem:$0x10100] =	vst v63  }
0x3c: {  	p1 =	sge.u32 s31, s7  }
.Ltmp2:
0x3d: {  	_ = 	snop;
	(pc) =	sbr.rel @p1 .LBB1_5-.Ltmp2, $1  }
0x3e: {  	_ =	sdelay $0x3  }
0x3f: {  	s17 =	simm.s32 $0x1  }
0x40: {  	_ =	swait.ge [sflag:s5], $0x4000;
	s17 =	simm.s32 @!p0 $0x0  }
0x41: {  	[sflag:s5] =	ssyncset.done $0x0;
	s18 =	sshll.u32 s17, $0xE  }
0x42: {  	[sflag:s5] =	ssyncadd.s32 $0xFFFFC000;
	s18 =	sor.u32 $0x40, s18  }
0x43: {  	s17 =	smul.u32 $0x10200, s17;
	v0 =	vld [tilespmem:s18+$0x30]  }
0x44: {  	v1 =	vld [tilespmem:s18+$0xFFFFFFD0]  }
0x45: {  	s17 =	sshrl.u32 s17, $0x2;
	v5 =	vld [tilespmem:s18+$0xFFFFFFE0]  }
0x46: {  	v6 =	vld [tilespmem:s18+$0xFFFFFFF0];
	s19 =	sor.u32 $0x8000, s17  }
0x47: {  	s31 =	sand.u32 $0x1, s15;
	v4 =	vld [tilespmem:s18+$0x0];
	s20 =	sadd.s32 $0x0, s19  }
0x48: {  	v3 =	vld [tilespmem:s18+$0x10];
	s17 =	smul.u32 $0x10200, s31;
	[tilespmem:s20+$0x3870 ss:$0x81] =	vst.msk $0xffff, v0  }
0x49: {  	v2 =	vld [tilespmem:s18+$0x20];
	[tilespmem:s20+$0x810 ss:$0x81] =	vst.msk $0xffff, v1  }
0x4a: {  	s17 =	sshrl.u32 s17, $0x2;
	v0 =	vld [tilespmem:s18+$0xFFFFFFC0];
	[tilespmem:s20+$0x1020 ss:$0x81] =	vst.msk $0xffff, v5;
	s18 =	sadd.s32 $0x80, s18  }
0x4b: {  	s21 =	simm.s32 $0x4;
	s22 =	simm.s32 $0x8;
	s17 =	sor.u32 $0x8000, s17;
	[tilespmem:s20+$0x1830 ss:$0x81] =	vst.msk $0xffff, v6;
	v1 =	vld [tilespmem:s18+$0x30]  }
.LBB1_3:
0x4c: {  	p1 =	sne.s32 s22, $0x1FC;
	v5 =	vld [tilespmem:s18+$0xFFFFFFD0];
	[tilespmem:s20+$0x2040 ss:$0x81] =	vst.msk $0xffff, v4  }
0x4d: {  	v6 =	vld [tilespmem:s18+$0xFFFFFFE0];
	[tilespmem:s20+$0x2850 ss:$0x81] =	vst.msk $0xffff, v3  }
0x4e: {  	s23 =	sshra.s32 s21, $0x2;
	s21 =	smov.u32 s22;
	v7 =	vld [tilespmem:s18+$0xFFFFFFF0];
	[tilespmem:s20+$0x3060 ss:$0x81] =	vst.msk $0xffff, v2  }
.Ltmp3:
0x4f: {  	v4 =	vld [tilespmem:s18+$0x0];
	[tilespmem:s20+$0x0 ss:$0x81] =	vst.msk $0xffff, v0;
	s20 =	sadd.s32 s23, s19;
	(pc) =	sbr.rel @p1 .LBB1_3-.Ltmp3, $4  }
0x50: {  	v3 =	vld [tilespmem:s18+$0x10];
	[tilespmem:s20+$0x3870 ss:$0x81] =	vst.msk $0xffff, v1  }
0x51: {  	[tilespmem:s20+$0x810 ss:$0x81] =	vst.msk $0xffff, v5;
	v2 =	vld [tilespmem:s18+$0x20]  }
0x52: {  	v0 =	vld [tilespmem:s18+$0xFFFFFFC0];
	[tilespmem:s20+$0x1020 ss:$0x81] =	vst.msk $0xffff, v6;
	s18 =	sadd.s32 $0x80, s18  }
0x53: {  	s22 =	sadd.s32 $0x4, s22;
	v1 =	vld [tilespmem:s18+$0x30];
	[tilespmem:s20+$0x1830 ss:$0x81] =	vst.msk $0xffff, v7  }
.Ltmp4:
0x54: {  	_ = 	snop;
	(pc) =	sbr.rel .LBB1_4-.Ltmp4, $1  }
0x55: {  	_ =	sdelay $0x3  }
.LBB1_6:
0x56: {  	_ =	sfence.sel $0x180000  }
0x57: {  	s2 =	simm.s32 $0x1;
	[bflag:$0x0] =	sbarrier.arrive $0xFFFF  }
0x58: {  	s31 =	simm.s32 $0x2;
	[sflag:s2] =	ssyncpa.u1 $0x1  }
0x59: {  	[sflag:s31] =	ssyncpa.u1 $0x1  }
0x5a: {  	p0 =	sne.s32 s1, $0x0;
	_ =	strace $0x9000004D  }
0x5b: {  	s0 =	sadd.s32 @!p0 $0x100000, s0;
	[bflag:$0x2] =	sbarrier.arrive $0xFFFF  }
0x5c: {  	[sflag:s0] =	ssyncadd.tile.s32 @!p0 $0x1;
	_ =	shalt  }
.Lfunc_end1:
_tile_overlayer_lowered:
.L_overlay_start_2:
0x5d: {  	(tag) =	ssettag $0x2  }
0x5e: {  	s0 =	rddreg [dreg:$0x0];
	s2 =	stileid.u32  }
0x5f: {  	s1 =	rddreg [dreg:$0x1];
	p0 =	sne.s32 s2, $0x0  }
0x60: {  	s3 =	rddreg [dreg:$0x2];
	[bflag:$0x3] =	sbarrier.arrive $0xFFFF;
	s2 =	simm.s32 @!p0 $0x1C01  }
0x61: {  	[timem:s3], [sflag:s2] =	dma.local @!p0 [hbm:s0], s1  }
0x62: {  	s0 =	simm.s32 @!p0 $0x1  }
0x63: {  	_ =	swait.ge @!p0 [sflag:s0], s1  }
0x64: {  	s1 =	ssub.s32 @!p0 $0x0, s1;
	[sflag:s0] =	ssyncset.done @!p0 $0x0  }
0x65: {  	[sflag:s0] =	ssyncadd.s32 @!p0 s1  }
0x66: {  	[bflag:$0x3] =	sbarrier.arrive $0xFFFF  }
0x67: {  	_ =	shalt  }

</sc_bundles>
